<compile_context>
chip_gen: v7x
topology: tpu7x:2x2x1
jax: 0.10.2.dev20260603
libtpu: 0.0.44.dev20260713+nightly
codegen_flags: <defaults>
</compile_context>

<pallas_src>
import functools

import jax
import jax.numpy as jnp
from jax import lax
from jax.experimental import pallas as pl
from jax.experimental.pallas import tpu as pltpu
from jax.experimental.pallas import tpu_sc as plsc

B, L, W = 1024, 50, 16
D_EMB = 64
CHAR_VOCAB = 100
D_OUT = 2 * D_EMB
N = B * L

_NCHUNKS = 1
_NB = N // _NCHUNKS
_NC, _NS = 2, 16
_NW = _NC * _NS
_ROWS_PER_W = _NB // _NW
_CHUNK = 100
_NIDX = _ROWS_PER_W // _CHUNK


def _glove_body(table_hbm, idx_hbm, out_hbm, idx_v, rows_v, sem):
    wid = lax.axis_index("s") * _NC + lax.axis_index("c")
    base = wid * _ROWS_PER_W
    pltpu.sync_copy(idx_hbm.at[pl.ds(wid * _NIDX, _NIDX)], idx_v)
    copies = [
        pltpu.async_copy(
            table_hbm.at[idx_v.at[j]],
            rows_v.at[pl.ds(j * _CHUNK, _CHUNK)],
            sem,
        )
        for j in range(_NIDX)
    ]
    for c in copies:
        c.wait()
    pltpu.sync_copy(rows_v, out_hbm.at[pl.ds(base, _ROWS_PER_W)])


def _glove_gather(table, idx2d):
    mesh = plsc.VectorSubcoreMesh(core_axis_name="c", subcore_axis_name="s")
    return pl.kernel(
        _glove_body,
        out_type=jax.ShapeDtypeStruct((_NB, D_EMB), jnp.float32),
        mesh=mesh,
        scratch_types=[
            pltpu.VMEM((_NIDX, _CHUNK), jnp.int32),
            pltpu.VMEM((_ROWS_PER_W, D_EMB), jnp.float32),
            pltpu.SemaphoreType.DMA,
        ],
        compiler_params=pltpu.CompilerParams(use_tc_tiling_on_sc=False),
    )(table, idx2d)


_BB = 32
_M = _BB * L
_CVP = 104
_BCHUNK = B // _NCHUNKS
_STEPS = _BCHUNK // _BB


def _mlp_body(cx_ref, ge_ref, sel_ref, im_ref, tbl2_ref, w1_ref, b1_ref,
              w2_ref, b2_ref, out_ref):
    cx2 = cx_ref[...].reshape(_M, W).astype(jnp.bfloat16)
    dr = jnp.dot(cx2, sel_ref[...], preferred_element_type=jnp.float32)
    oh = (dr == im_ref[...]).astype(jnp.bfloat16)
    tbl2 = tbl2_ref[...]
    ce2 = jnp.full((_M, 2 * D_EMB), -jnp.inf, jnp.float32)
    for p in range(W // 2):
        ce2 = jnp.maximum(ce2, jnp.dot(oh[:, p * 2 * _CVP:(p + 1) * 2 * _CVP],
                                       tbl2, preferred_element_type=jnp.float32))
    ce = jnp.maximum(ce2[:, :D_EMB], ce2[:, D_EMB:])
    h = jnp.concatenate([ce, ge_ref[...]], axis=-1)

    def highway(hh, wc, bc):
        og = jnp.dot(hh, wc, preferred_element_type=jnp.float32) + bc
        o = jnp.maximum(og[:, :D_OUT], 0.0)
        g = 1.0 / (1.0 + jnp.exp(-og[:, D_OUT:]))
        return hh * g + o * (1.0 - g)

    h = highway(h, w1_ref[...], b1_ref[...])
    h = highway(h, w2_ref[...], b2_ref[...])
    out_ref[...] = h.reshape(_BB, L, D_OUT)


def _mlp_chunk(c, cx, ge, prev, sel, im, tbl2, w1, b1, w2, b2):
    full = lambda shape: pl.BlockSpec(shape, lambda i: (0, 0))
    args = [cx, ge, sel, im, tbl2, w1, b1, w2, b2]
    in_specs = [
        pl.BlockSpec((_BB, L, W), lambda i: (c * _STEPS + i, 0, 0)),
        pl.BlockSpec((_M, D_EMB), lambda i: (i, 0)),
        full((W, W * _CVP)),
        full((1, W * _CVP)),
        full((2 * _CVP, 2 * D_EMB)),
        full((D_OUT, 2 * D_OUT)), full((1, 2 * D_OUT)),
        full((D_OUT, 2 * D_OUT)), full((1, 2 * D_OUT)),
    ]
    body = _mlp_body
    aliases = {}
    if prev is not None:
        args = [prev] + args
        in_specs = [pl.BlockSpec(memory_space=pltpu.MemorySpace.HBM)] + in_specs
        aliases = {0: 0}
        body = lambda _prev_ref, *refs: _mlp_body(*refs)
    return pl.pallas_call(
        body,
        grid=(_STEPS,),
        in_specs=in_specs,
        out_specs=pl.BlockSpec((_BB, L, D_OUT), lambda i: (c * _STEPS + i, 0, 0)),
        out_shape=jax.ShapeDtypeStruct((B, L, D_OUT), jnp.float32),
        input_output_aliases=aliases,
        compiler_params=pltpu.CompilerParams(
            dimension_semantics=("arbitrary",),
            vmem_limit_bytes=100 * 1024 * 1024,
        ),
    )(*args)


def _dense_consts(char_table, W_i1, b_i1, W_g1, b_g1, W_i2, b_i2, W_g2, b_g2):
    sel = jnp.repeat(jnp.eye(W, dtype=jnp.bfloat16), _CVP, axis=1)
    im = (jnp.arange(W * _CVP) % _CVP).astype(jnp.float32).reshape(1, -1)
    tblp = jnp.zeros((_CVP, D_EMB), jnp.bfloat16).at[:CHAR_VOCAB].set(
        char_table.astype(jnp.bfloat16))
    z = jnp.zeros_like(tblp)
    tbl2 = jnp.block([[tblp, z], [z, tblp]])
    w1 = jnp.concatenate([W_i1.T, W_g1.T], axis=1)
    w2 = jnp.concatenate([W_i2.T, W_g2.T], axis=1)
    b1 = jnp.concatenate([b_i1, b_g1]).reshape(1, 2 * D_OUT)
    b2 = jnp.concatenate([b_i2, b_g2]).reshape(1, 2 * D_OUT)
    return sel, im, tbl2, w1, b1, w2, b2


def kernel(cx, gx, x, char_table, glove_table, W_i1, b_i1, W_g1, b_g1,
           W_i2, b_i2, W_g2, b_g2):
    del x
    idx = gx.astype(jnp.int32).reshape(_NCHUNKS, _NB // _CHUNK, _CHUNK)
    consts = _dense_consts(
        char_table, W_i1, b_i1, W_g1, b_g1, W_i2, b_i2, W_g2, b_g2)
    ges = [_glove_gather(glove_table, idx[c]) for c in range(_NCHUNKS)]
    out = None
    for c in range(_NCHUNKS):
        out = _mlp_chunk(c, cx, ges[c], out, *consts)
    return out

# --- scband reference (transcript-rebuilt; emitter-appended) ---
"""Pipeline reference for scband-embedding-80728205295852 (READ-ONLY COPY).

The authoritative reference and input builder live on the scoring server;
editing this copy changes nothing except your own understanding.
"""

import jax, jax.numpy as jnp
import numpy as np

B, L, W = 1024, 50, 16
D_EMB = 64
CHAR_VOCAB = 100
GLOVE_VOCAB = 100000
D_OUT = 2 * D_EMB


def setup_inputs(seed: int = 0) -> dict:
    key = jax.random.key(seed)
    ks = jax.random.split(key, 13)
    cx = jax.random.randint(ks[0], (B, L, W), 0, CHAR_VOCAB, dtype=jnp.int64 if jax.config.jax_enable_x64 else jnp.int32)
    gx = jax.random.randint(ks[1], (B, L), 0, GLOVE_VOCAB, dtype=jnp.int64 if jax.config.jax_enable_x64 else jnp.int32)
    x = jax.random.randint(ks[2], (B, L), 0, GLOVE_VOCAB, dtype=jnp.int64 if jax.config.jax_enable_x64 else jnp.int32)
    char_table = jax.random.normal(ks[3], (CHAR_VOCAB, D_EMB), dtype=jnp.float32)
    glove_table = jax.random.normal(ks[4], (GLOVE_VOCAB, D_EMB), dtype=jnp.float32)
    s = 1.0 / np.sqrt(D_OUT)
    W_i1 = jax.random.uniform(ks[5], (D_OUT, D_OUT), minval=-s, maxval=s, dtype=jnp.float32)
    b_i1 = jax.random.uniform(ks[6], (D_OUT,), minval=-s, maxval=s, dtype=jnp.float32)
    W_g1 = jax.random.uniform(ks[7], (D_OUT, D_OUT), minval=-s, maxval=s, dtype=jnp.float32)
    b_g1 = jax.random.uniform(ks[8], (D_OUT,), minval=-s, maxval=s, dtype=jnp.float32)
    W_i2 = jax.random.uniform(ks[9], (D_OUT, D_OUT), minval=-s, maxval=s, dtype=jnp.float32)
    b_i2 = jax.random.uniform(ks[10], (D_OUT,), minval=-s, maxval=s, dtype=jnp.float32)
    W_g2 = jax.random.uniform(ks[11], (D_OUT, D_OUT), minval=-s, maxval=s, dtype=jnp.float32)
    b_g2 = jax.random.uniform(ks[12], (D_OUT,), minval=-s, maxval=s, dtype=jnp.float32)
    return {"cx": cx, "gx": gx, "x": x, "char_table": char_table, "glove_table": glove_table,
            "W_i1": W_i1, "b_i1": b_i1, "W_g1": W_g1, "b_g1": b_g1,
            "W_i2": W_i2, "b_i2": b_i2, "W_g2": W_g2, "b_g2": b_g2}


def _highway(h, Wi, bi, Wg, bg):
    # dropout is identity in eval mode
    o = jax.nn.relu(h @ Wi.T + bi)
    g = jax.nn.sigmoid(h @ Wg.T + bg)
    return h * g + o * (1.0 - g)


def reference(cx, gx, x, char_table, glove_table, W_i1, b_i1, W_g1, b_g1, W_i2, b_i2, W_g2, b_g2):
    # CharEmbedding: gather per-char vectors then max-pool over the char axis
    ce = jnp.take(char_table, cx, axis=0)          # [B, L, W, d]
    ce = jnp.max(ce, axis=-2)                       # [B, L, d]
    # GloVe WordEmbedding (frozen): plain gather
    ge = jnp.take(glove_table, gx, axis=0)          # [B, L, d]
    # note: `x` (trainable word embedding indices) is accepted but unused by the
    # original Embedding.forward, which only consumes cx and gx
    out = jnp.concatenate([ce, ge], axis=-1)        # [B, L, 2d]
    out = _highway(out, W_i1, b_i1, W_g1, b_g1)
    out = _highway(out, W_i2, b_i2, W_g2, b_g2)
    return out

if __name__ == "__main__":
    import jax
    _d = setup_inputs()
    print(jax.jit(kernel)(*tuple(_d.values())))

</pallas_src>

<mosaic_0001>
#map = affine_map<(d0, d1) -> (0, 0)>
module attributes {stable_mosaic.version = 14 : i64} {
  func.func @_glove_body(%arg0: i32, %arg1: i32, %arg2: memref<100000x64xf32, #tpu.memory_space<hbm>>, %arg3: memref<512x100xi32, #tpu.memory_space<hbm>>, %arg4: memref<51200x64xf32, #tpu.memory_space<hbm>>, %arg5: memref<16x100xi32, #tpu.memory_space<vmem>>, %arg6: memref<1600x64xf32, #tpu.memory_space<vmem>>, %arg7: memref<!tpu.dma_semaphore, #tpu.memory_space<semaphore_mem>>) attributes {dimension_semantics = [#tpu.dimension_semantics<core_parallel>, #tpu.dimension_semantics<subcore_parallel>], iteration_bounds = array<i64: 2, 16>, scalar_prefetch = 0 : i64, scratch_operands = 3 : i64, tpu.core_type = #tpu.core_type<sc_vector_subcore>, window_params = [{transform_indices = #map}, {transform_indices = #map}, {transform_indices = #map}]} {
    %mul3A = arith.constant 2 : i32
    %mul3A_0 = arith.muli %arg1, %mul3A : i32
    %add3A = arith.addi %mul3A_0, %arg0 : i32
    %mul3A_1 = arith.constant 1600 : i32
    %mul3A_2 = arith.muli %add3A, %mul3A_1 : i32
    %mul3A_3 = arith.constant 16 : i32
    %mul3A_4 = arith.muli %add3A, %mul3A_3 : i32
    "tpu.region"() ({
      %run_scoped3A = tpu.sem_alloc : memref<!tpu.dma_semaphore, #tpu.memory_space<semaphore_mem>>
      %dma_start3A_323 = arith.constant 0 : i32
      %dma_start3A_324 = tpu.memref_slice %arg3[%mul3A_4, %dma_start3A_323] : memref<512x100xi32, #tpu.memory_space<hbm>> -> memref<16x100xi32, #tpu.memory_space<hbm>>
      %dma_start3A_325 = arith.constant 0 : i32
      %dma_start3A_326 = tpu.memref_slice %arg3[%mul3A_4, %dma_start3A_325] : memref<512x100xi32, #tpu.memory_space<hbm>> -> memref<16x100xi32, #tpu.memory_space<hbm>>
      tpu.enqueue_dma source(%dma_start3A_326 : memref<16x100xi32, #tpu.memory_space<hbm>>) target(%arg5 : memref<16x100xi32, #tpu.memory_space<vmem>>) target_semaphore(%run_scoped3A : memref<!tpu.dma_semaphore, #tpu.memory_space<semaphore_mem>>)
      %dma_wait3A_327 = arith.constant 0 : i32
      %dma_wait3A_328 = tpu.memref_slice %arg3[%mul3A_4, %dma_wait3A_327] : memref<512x100xi32, #tpu.memory_space<hbm>> -> memref<16x100xi32, #tpu.memory_space<hbm>>
      %dma_wait3A_329 = arith.constant 0 : i32
      %dma_wait3A_330 = tpu.memref_slice %arg3[%mul3A_4, %dma_wait3A_329] : memref<512x100xi32, #tpu.memory_space<hbm>> -> memref<16x100xi32, #tpu.memory_space<hbm>>
      tpu.wait_dma2 semaphore(%run_scoped3A : memref<!tpu.dma_semaphore, #tpu.memory_space<semaphore_mem>>) src(%dma_wait3A_330 : memref<16x100xi32, #tpu.memory_space<hbm>>) dst(%arg5 : memref<16x100xi32, #tpu.memory_space<vmem>>)
      tpu.yield
    }) : () -> ()
    %dma_start3A = arith.constant 0 : i32
    %dma_start3A_5 = arith.constant 0 : i32
    %dma_start3A_6 = arith.constant 0 : i32
    %dma_start3A_7 = tpu.memref_slice %arg6[%dma_start3A_5, %dma_start3A_6] : memref<1600x64xf32, #tpu.memory_space<vmem>> -> memref<100x64xf32, #tpu.memory_space<vmem>>
    %dma_start3A_8 = arith.constant 0 : i32
    %dma_start3A_9 = tpu.memref_slice %arg5[%dma_start3A, %dma_start3A_8] : memref<16x100xi32, #tpu.memory_space<vmem>> -> memref<1x100xi32, #tpu.memory_space<vmem>>
    %dma_start3A_10 = tpu.memref_squeeze %dma_start3A_9 : memref<1x100xi32, #tpu.memory_space<vmem>> -> memref<100xi32, #tpu.memory_space<vmem>>
    %dma_start3A_11 = arith.constant 0 : i32
    %dma_start3A_12 = arith.constant 0 : i32
    %dma_start3A_13 = tpu.memref_slice %arg2[%dma_start3A_11, %dma_start3A_12] : memref<100000x64xf32, #tpu.memory_space<hbm>> -> memref<100000x64xf32, #tpu.memory_space<hbm>>
    tpu.enqueue_indirect_dma source(%dma_start3A_13 : memref<100000x64xf32, #tpu.memory_space<hbm>>) target(%dma_start3A_7 : memref<100x64xf32, #tpu.memory_space<vmem>>) offsets(%dma_start3A_10 : memref<100xi32, #tpu.memory_space<vmem>>) semaphore(%arg7 : memref<!tpu.dma_semaphore, #tpu.memory_space<semaphore_mem>>)
    %dma_start3A_14 = arith.constant 1 : i32
    %dma_start3A_15 = arith.constant 100 : i32
    %dma_start3A_16 = arith.constant 0 : i32
    %dma_start3A_17 = tpu.memref_slice %arg6[%dma_start3A_15, %dma_start3A_16] : memref<1600x64xf32, #tpu.memory_space<vmem>> -> memref<100x64xf32, #tpu.memory_space<vmem>>
    %dma_start3A_18 = arith.constant 0 : i32
    %dma_start3A_19 = tpu.memref_slice %arg5[%dma_start3A_14, %dma_start3A_18] : memref<16x100xi32, #tpu.memory_space<vmem>> -> memref<1x100xi32, #tpu.memory_space<vmem>>
    %dma_start3A_20 = tpu.memref_squeeze %dma_start3A_19 : memref<1x100xi32, #tpu.memory_space<vmem>> -> memref<100xi32, #tpu.memory_space<vmem>>
    %dma_start3A_21 = arith.constant 0 : i32
    %dma_start3A_22 = arith.constant 0 : i32
    %dma_start3A_23 = tpu.memref_slice %arg2[%dma_start3A_21, %dma_start3A_22] : memref<100000x64xf32, #tpu.memory_space<hbm>> -> memref<100000x64xf32, #tpu.memory_space<hbm>>
    tpu.enqueue_indirect_dma source(%dma_start3A_23 : memref<100000x64xf32, #tpu.memory_space<hbm>>) target(%dma_start3A_17 : memref<100x64xf32, #tpu.memory_space<vmem>>) offsets(%dma_start3A_20 : memref<100xi32, #tpu.memory_space<vmem>>) semaphore(%arg7 : memref<!tpu.dma_semaphore, #tpu.memory_space<semaphore_mem>>)
    %dma_start3A_24 = arith.constant 2 : i32
    %dma_start3A_25 = arith.constant 200 : i32
    %dma_start3A_26 = arith.constant 0 : i32
    %dma_start3A_27 = tpu.memref_slice %arg6[%dma_start3A_25, %dma_start3A_26] : memref<1600x64xf32, #tpu.memory_space<vmem>> -> memref<100x64xf32, #tpu.memory_space<vmem>>
    %dma_start3A_28 = arith.constant 0 : i32
    %dma_start3A_29 = tpu.memref_slice %arg5[%dma_start3A_24, %dma_start3A_28] : memref<16x100xi32, #tpu.memory_space<vmem>> -> memref<1x100xi32, #tpu.memory_space<vmem>>
    %dma_start3A_30 = tpu.memref_squeeze %dma_start3A_29 : memref<1x100xi32, #tpu.memory_space<vmem>> -> memref<100xi32, #tpu.memory_space<vmem>>
    %dma_start3A_31 = arith.constant 0 : i32
    %dma_start3A_32 = arith.constant 0 : i32
    %dma_start3A_33 = tpu.memref_slice %arg2[%dma_start3A_31, %dma_start3A_32] : memref<100000x64xf32, #tpu.memory_space<hbm>> -> memref<100000x64xf32, #tpu.memory_space<hbm>>
    tpu.enqueue_indirect_dma source(%dma_start3A_33 : memref<100000x64xf32, #tpu.memory_space<hbm>>) target(%dma_start3A_27 : memref<100x64xf32, #tpu.memory_space<vmem>>) offsets(%dma_start3A_30 : memref<100xi32, #tpu.memory_space<vmem>>) semaphore(%arg7 : memref<!tpu.dma_semaphore, #tpu.memory_space<semaphore_mem>>)
    %dma_start3A_34 = arith.constant 3 : i32
    %dma_start3A_35 = arith.constant 300 : i32
    %dma_start3A_36 = arith.constant 0 : i32
    %dma_start3A_37 = tpu.memref_slice %arg6[%dma_start3A_35, %dma_start3A_36] : memref<1600x64xf32, #tpu.memory_space<vmem>> -> memref<100x64xf32, #tpu.memory_space<vmem>>
    %dma_start3A_38 = arith.constant 0 : i32
    %dma_start3A_39 = tpu.memref_slice %arg5[%dma_start3A_34, %dma_start3A_38] : memref<16x100xi32, #tpu.memory_space<vmem>> -> memref<1x100xi32, #tpu.memory_space<vmem>>
    %dma_start3A_40 = tpu.memref_squeeze %dma_start3A_39 : memref<1x100xi32, #tpu.memory_space<vmem>> -> memref<100xi32, #tpu.memory_space<vmem>>
    %dma_start3A_41 = arith.constant 0 : i32
    %dma_start3A_42 = arith.constant 0 : i32
    %dma_start3A_43 = tpu.memref_slice %arg2[%dma_start3A_41, %dma_start3A_42] : memref<100000x64xf32, #tpu.memory_space<hbm>> -> memref<100000x64xf32, #tpu.memory_space<hbm>>
    tpu.enqueue_indirect_dma source(%dma_start3A_43 : memref<100000x64xf32, #tpu.memory_space<hbm>>) target(%dma_start3A_37 : memref<100x64xf32, #tpu.memory_space<vmem>>) offsets(%dma_start3A_40 : memref<100xi32, #tpu.memory_space<vmem>>) semaphore(%arg7 : memref<!tpu.dma_semaphore, #tpu.memory_space<semaphore_mem>>)
    %dma_start3A_44 = arith.constant 4 : i32
    %dma_start3A_45 = arith.constant 400 : i32
    %dma_start3A_46 = arith.constant 0 : i32
    %dma_start3A_47 = tpu.memref_slice %arg6[%dma_start3A_45, %dma_start3A_46] : memref<1600x64xf32, #tpu.memory_space<vmem>> -> memref<100x64xf32, #tpu.memory_space<vmem>>
    %dma_start3A_48 = arith.constant 0 : i32
    %dma_start3A_49 = tpu.memref_slice %arg5[%dma_start3A_44, %dma_start3A_48] : memref<16x100xi32, #tpu.memory_space<vmem>> -> memref<1x100xi32, #tpu.memory_space<vmem>>
    %dma_start3A_50 = tpu.memref_squeeze %dma_start3A_49 : memref<1x100xi32, #tpu.memory_space<vmem>> -> memref<100xi32, #tpu.memory_space<vmem>>
    %dma_start3A_51 = arith.constant 0 : i32
    %dma_start3A_52 = arith.constant 0 : i32
    %dma_start3A_53 = tpu.memref_slice %arg2[%dma_start3A_51, %dma_start3A_52] : memref<100000x64xf32, #tpu.memory_space<hbm>> -> memref<100000x64xf32, #tpu.memory_space<hbm>>
    tpu.enqueue_indirect_dma source(%dma_start3A_53 : memref<100000x64xf32, #tpu.memory_space<hbm>>) target(%dma_start3A_47 : memref<100x64xf32, #tpu.memory_space<vmem>>) offsets(%dma_start3A_50 : memref<100xi32, #tpu.memory_space<vmem>>) semaphore(%arg7 : memref<!tpu.dma_semaphore, #tpu.memory_space<semaphore_mem>>)
    %dma_start3A_54 = arith.constant 5 : i32
    %dma_start3A_55 = arith.constant 500 : i32
    %dma_start3A_56 = arith.constant 0 : i32
    %dma_start3A_57 = tpu.memref_slice %arg6[%dma_start3A_55, %dma_start3A_56] : memref<1600x64xf32, #tpu.memory_space<vmem>> -> memref<100x64xf32, #tpu.memory_space<vmem>>
    %dma_start3A_58 = arith.constant 0 : i32
    %dma_start3A_59 = tpu.memref_slice %arg5[%dma_start3A_54, %dma_start3A_58] : memref<16x100xi32, #tpu.memory_space<vmem>> -> memref<1x100xi32, #tpu.memory_space<vmem>>
    %dma_start3A_60 = tpu.memref_squeeze %dma_start3A_59 : memref<1x100xi32, #tpu.memory_space<vmem>> -> memref<100xi32, #tpu.memory_space<vmem>>
    %dma_start3A_61 = arith.constant 0 : i32
    %dma_start3A_62 = arith.constant 0 : i32
    %dma_start3A_63 = tpu.memref_slice %arg2[%dma_start3A_61, %dma_start3A_62] : memref<100000x64xf32, #tpu.memory_space<hbm>> -> memref<100000x64xf32, #tpu.memory_space<hbm>>
    tpu.enqueue_indirect_dma source(%dma_start3A_63 : memref<100000x64xf32, #tpu.memory_space<hbm>>) target(%dma_start3A_57 : memref<100x64xf32, #tpu.memory_space<vmem>>) offsets(%dma_start3A_60 : memref<100xi32, #tpu.memory_space<vmem>>) semaphore(%arg7 : memref<!tpu.dma_semaphore, #tpu.memory_space<semaphore_mem>>)
    %dma_start3A_64 = arith.constant 6 : i32
    %dma_start3A_65 = arith.constant 600 : i32
    %dma_start3A_66 = arith.constant 0 : i32
    %dma_start3A_67 = tpu.memref_slice %arg6[%dma_start3A_65, %dma_start3A_66] : memref<1600x64xf32, #tpu.memory_space<vmem>> -> memref<100x64xf32, #tpu.memory_space<vmem>>
    %dma_start3A_68 = arith.constant 0 : i32
    %dma_start3A_69 = tpu.memref_slice %arg5[%dma_start3A_64, %dma_start3A_68] : memref<16x100xi32, #tpu.memory_space<vmem>> -> memref<1x100xi32, #tpu.memory_space<vmem>>
    %dma_start3A_70 = tpu.memref_squeeze %dma_start3A_69 : memref<1x100xi32, #tpu.memory_space<vmem>> -> memref<100xi32, #tpu.memory_space<vmem>>
    %dma_start3A_71 = arith.constant 0 : i32
    %dma_start3A_72 = arith.constant 0 : i32
    %dma_start3A_73 = tpu.memref_slice %arg2[%dma_start3A_71, %dma_start3A_72] : memref<100000x64xf32, #tpu.memory_space<hbm>> -> memref<100000x64xf32, #tpu.memory_space<hbm>>
    tpu.enqueue_indirect_dma source(%dma_start3A_73 : memref<100000x64xf32, #tpu.memory_space<hbm>>) target(%dma_start3A_67 : memref<100x64xf32, #tpu.memory_space<vmem>>) offsets(%dma_start3A_70 : memref<100xi32, #tpu.memory_space<vmem>>) semaphore(%arg7 : memref<!tpu.dma_semaphore, #tpu.memory_space<semaphore_mem>>)
    %dma_start3A_74 = arith.constant 7 : i32
    %dma_start3A_75 = arith.constant 700 : i32
    %dma_start3A_76 = arith.constant 0 : i32
    %dma_start3A_77 = tpu.memref_slice %arg6[%dma_start3A_75, %dma_start3A_76] : memref<1600x64xf32, #tpu.memory_space<vmem>> -> memref<100x64xf32, #tpu.memory_space<vmem>>
    %dma_start3A_78 = arith.constant 0 : i32
    %dma_start3A_79 = tpu.memref_slice %arg5[%dma_start3A_74, %dma_start3A_78] : memref<16x100xi32, #tpu.memory_space<vmem>> -> memref<1x100xi32, #tpu.memory_space<vmem>>
    %dma_start3A_80 = tpu.memref_squeeze %dma_start3A_79 : memref<1x100xi32, #tpu.memory_space<vmem>> -> memref<100xi32, #tpu.memory_space<vmem>>
    %dma_start3A_81 = arith.constant 0 : i32
    %dma_start3A_82 = arith.constant 0 : i32
    %dma_start3A_83 = tpu.memref_slice %arg2[%dma_start3A_81, %dma_start3A_82] : memref<100000x64xf32, #tpu.memory_space<hbm>> -> memref<100000x64xf32, #tpu.memory_space<hbm>>
    tpu.enqueue_indirect_dma source(%dma_start3A_83 : memref<100000x64xf32, #tpu.memory_space<hbm>>) target(%dma_start3A_77 : memref<100x64xf32, #tpu.memory_space<vmem>>) offsets(%dma_start3A_80 : memref<100xi32, #tpu.memory_space<vmem>>) semaphore(%arg7 : memref<!tpu.dma_semaphore, #tpu.memory_space<semaphore_mem>>)
    %dma_start3A_84 = arith.constant 8 : i32
    %dma_start3A_85 = arith.constant 800 : i32
    %dma_start3A_86 = arith.constant 0 : i32
    %dma_start3A_87 = tpu.memref_slice %arg6[%dma_start3A_85, %dma_start3A_86] : memref<1600x64xf32, #tpu.memory_space<vmem>> -> memref<100x64xf32, #tpu.memory_space<vmem>>
    %dma_start3A_88 = arith.constant 0 : i32
    %dma_start3A_89 = tpu.memref_slice %arg5[%dma_start3A_84, %dma_start3A_88] : memref<16x100xi32, #tpu.memory_space<vmem>> -> memref<1x100xi32, #tpu.memory_space<vmem>>
    %dma_start3A_90 = tpu.memref_squeeze %dma_start3A_89 : memref<1x100xi32, #tpu.memory_space<vmem>> -> memref<100xi32, #tpu.memory_space<vmem>>
    %dma_start3A_91 = arith.constant 0 : i32
    %dma_start3A_92 = arith.constant 0 : i32
    %dma_start3A_93 = tpu.memref_slice %arg2[%dma_start3A_91, %dma_start3A_92] : memref<100000x64xf32, #tpu.memory_space<hbm>> -> memref<100000x64xf32, #tpu.memory_space<hbm>>
    tpu.enqueue_indirect_dma source(%dma_start3A_93 : memref<100000x64xf32, #tpu.memory_space<hbm>>) target(%dma_start3A_87 : memref<100x64xf32, #tpu.memory_space<vmem>>) offsets(%dma_start3A_90 : memref<100xi32, #tpu.memory_space<vmem>>) semaphore(%arg7 : memref<!tpu.dma_semaphore, #tpu.memory_space<semaphore_mem>>)
    %dma_start3A_94 = arith.constant 9 : i32
    %dma_start3A_95 = arith.constant 900 : i32
    %dma_start3A_96 = arith.constant 0 : i32
    %dma_start3A_97 = tpu.memref_slice %arg6[%dma_start3A_95, %dma_start3A_96] : memref<1600x64xf32, #tpu.memory_space<vmem>> -> memref<100x64xf32, #tpu.memory_space<vmem>>
    %dma_start3A_98 = arith.constant 0 : i32
    %dma_start3A_99 = tpu.memref_slice %arg5[%dma_start3A_94, %dma_start3A_98] : memref<16x100xi32, #tpu.memory_space<vmem>> -> memref<1x100xi32, #tpu.memory_space<vmem>>
    %dma_start3A_100 = tpu.memref_squeeze %dma_start3A_99 : memref<1x100xi32, #tpu.memory_space<vmem>> -> memref<100xi32, #tpu.memory_space<vmem>>
    %dma_start3A_101 = arith.constant 0 : i32
    %dma_start3A_102 = arith.constant 0 : i32
    %dma_start3A_103 = tpu.memref_slice %arg2[%dma_start3A_101, %dma_start3A_102] : memref<100000x64xf32, #tpu.memory_space<hbm>> -> memref<100000x64xf32, #tpu.memory_space<hbm>>
    tpu.enqueue_indirect_dma source(%dma_start3A_103 : memref<100000x64xf32, #tpu.memory_space<hbm>>) target(%dma_start3A_97 : memref<100x64xf32, #tpu.memory_space<vmem>>) offsets(%dma_start3A_100 : memref<100xi32, #tpu.memory_space<vmem>>) semaphore(%arg7 : memref<!tpu.dma_semaphore, #tpu.memory_space<semaphore_mem>>)
    %dma_start3A_104 = arith.constant 10 : i32
    %dma_start3A_105 = arith.constant 1000 : i32
    %dma_start3A_106 = arith.constant 0 : i32
    %dma_start3A_107 = tpu.memref_slice %arg6[%dma_start3A_105, %dma_start3A_106] : memref<1600x64xf32, #tpu.memory_space<vmem>> -> memref<100x64xf32, #tpu.memory_space<vmem>>
    %dma_start3A_108 = arith.constant 0 : i32
    %dma_start3A_109 = tpu.memref_slice %arg5[%dma_start3A_104, %dma_start3A_108] : memref<16x100xi32, #tpu.memory_space<vmem>> -> memref<1x100xi32, #tpu.memory_space<vmem>>
    %dma_start3A_110 = tpu.memref_squeeze %dma_start3A_109 : memref<1x100xi32, #tpu.memory_space<vmem>> -> memref<100xi32, #tpu.memory_space<vmem>>
    %dma_start3A_111 = arith.constant 0 : i32
    %dma_start3A_112 = arith.constant 0 : i32
    %dma_start3A_113 = tpu.memref_slice %arg2[%dma_start3A_111, %dma_start3A_112] : memref<100000x64xf32, #tpu.memory_space<hbm>> -> memref<100000x64xf32, #tpu.memory_space<hbm>>
    tpu.enqueue_indirect_dma source(%dma_start3A_113 : memref<100000x64xf32, #tpu.memory_space<hbm>>) target(%dma_start3A_107 : memref<100x64xf32, #tpu.memory_space<vmem>>) offsets(%dma_start3A_110 : memref<100xi32, #tpu.memory_space<vmem>>) semaphore(%arg7 : memref<!tpu.dma_semaphore, #tpu.memory_space<semaphore_mem>>)
    %dma_start3A_114 = arith.constant 11 : i32
    %dma_start3A_115 = arith.constant 1100 : i32
    %dma_start3A_116 = arith.constant 0 : i32
    %dma_start3A_117 = tpu.memref_slice %arg6[%dma_start3A_115, %dma_start3A_116] : memref<1600x64xf32, #tpu.memory_space<vmem>> -> memref<100x64xf32, #tpu.memory_space<vmem>>
    %dma_start3A_118 = arith.constant 0 : i32
    %dma_start3A_119 = tpu.memref_slice %arg5[%dma_start3A_114, %dma_start3A_118] : memref<16x100xi32, #tpu.memory_space<vmem>> -> memref<1x100xi32, #tpu.memory_space<vmem>>
    %dma_start3A_120 = tpu.memref_squeeze %dma_start3A_119 : memref<1x100xi32, #tpu.memory_space<vmem>> -> memref<100xi32, #tpu.memory_space<vmem>>
    %dma_start3A_121 = arith.constant 0 : i32
    %dma_start3A_122 = arith.constant 0 : i32
    %dma_start3A_123 = tpu.memref_slice %arg2[%dma_start3A_121, %dma_start3A_122] : memref<100000x64xf32, #tpu.memory_space<hbm>> -> memref<100000x64xf32, #tpu.memory_space<hbm>>
    tpu.enqueue_indirect_dma source(%dma_start3A_123 : memref<100000x64xf32, #tpu.memory_space<hbm>>) target(%dma_start3A_117 : memref<100x64xf32, #tpu.memory_space<vmem>>) offsets(%dma_start3A_120 : memref<100xi32, #tpu.memory_space<vmem>>) semaphore(%arg7 : memref<!tpu.dma_semaphore, #tpu.memory_space<semaphore_mem>>)
    %dma_start3A_124 = arith.constant 12 : i32
    %dma_start3A_125 = arith.constant 1200 : i32
    %dma_start3A_126 = arith.constant 0 : i32
    %dma_start3A_127 = tpu.memref_slice %arg6[%dma_start3A_125, %dma_start3A_126] : memref<1600x64xf32, #tpu.memory_space<vmem>> -> memref<100x64xf32, #tpu.memory_space<vmem>>
    %dma_start3A_128 = arith.constant 0 : i32
    %dma_start3A_129 = tpu.memref_slice %arg5[%dma_start3A_124, %dma_start3A_128] : memref<16x100xi32, #tpu.memory_space<vmem>> -> memref<1x100xi32, #tpu.memory_space<vmem>>
    %dma_start3A_130 = tpu.memref_squeeze %dma_start3A_129 : memref<1x100xi32, #tpu.memory_space<vmem>> -> memref<100xi32, #tpu.memory_space<vmem>>
    %dma_start3A_131 = arith.constant 0 : i32
    %dma_start3A_132 = arith.constant 0 : i32
    %dma_start3A_133 = tpu.memref_slice %arg2[%dma_start3A_131, %dma_start3A_132] : memref<100000x64xf32, #tpu.memory_space<hbm>> -> memref<100000x64xf32, #tpu.memory_space<hbm>>
    tpu.enqueue_indirect_dma source(%dma_start3A_133 : memref<100000x64xf32, #tpu.memory_space<hbm>>) target(%dma_start3A_127 : memref<100x64xf32, #tpu.memory_space<vmem>>) offsets(%dma_start3A_130 : memref<100xi32, #tpu.memory_space<vmem>>) semaphore(%arg7 : memref<!tpu.dma_semaphore, #tpu.memory_space<semaphore_mem>>)
    %dma_start3A_134 = arith.constant 13 : i32
    %dma_start3A_135 = arith.constant 1300 : i32
    %dma_start3A_136 = arith.constant 0 : i32
    %dma_start3A_137 = tpu.memref_slice %arg6[%dma_start3A_135, %dma_start3A_136] : memref<1600x64xf32, #tpu.memory_space<vmem>> -> memref<100x64xf32, #tpu.memory_space<vmem>>
    %dma_start3A_138 = arith.constant 0 : i32
    %dma_start3A_139 = tpu.memref_slice %arg5[%dma_start3A_134, %dma_start3A_138] : memref<16x100xi32, #tpu.memory_space<vmem>> -> memref<1x100xi32, #tpu.memory_space<vmem>>
    %dma_start3A_140 = tpu.memref_squeeze %dma_start3A_139 : memref<1x100xi32, #tpu.memory_space<vmem>> -> memref<100xi32, #tpu.memory_space<vmem>>
    %dma_start3A_141 = arith.constant 0 : i32
    %dma_start3A_142 = arith.constant 0 : i32
    %dma_start3A_143 = tpu.memref_slice %arg2[%dma_start3A_141, %dma_start3A_142] : memref<100000x64xf32, #tpu.memory_space<hbm>> -> memref<100000x64xf32, #tpu.memory_space<hbm>>
    tpu.enqueue_indirect_dma source(%dma_start3A_143 : memref<100000x64xf32, #tpu.memory_space<hbm>>) target(%dma_start3A_137 : memref<100x64xf32, #tpu.memory_space<vmem>>) offsets(%dma_start3A_140 : memref<100xi32, #tpu.memory_space<vmem>>) semaphore(%arg7 : memref<!tpu.dma_semaphore, #tpu.memory_space<semaphore_mem>>)
    %dma_start3A_144 = arith.constant 14 : i32
    %dma_start3A_145 = arith.constant 1400 : i32
    %dma_start3A_146 = arith.constant 0 : i32
    %dma_start3A_147 = tpu.memref_slice %arg6[%dma_start3A_145, %dma_start3A_146] : memref<1600x64xf32, #tpu.memory_space<vmem>> -> memref<100x64xf32, #tpu.memory_space<vmem>>
    %dma_start3A_148 = arith.constant 0 : i32
    %dma_start3A_149 = tpu.memref_slice %arg5[%dma_start3A_144, %dma_start3A_148] : memref<16x100xi32, #tpu.memory_space<vmem>> -> memref<1x100xi32, #tpu.memory_space<vmem>>
    %dma_start3A_150 = tpu.memref_squeeze %dma_start3A_149 : memref<1x100xi32, #tpu.memory_space<vmem>> -> memref<100xi32, #tpu.memory_space<vmem>>
    %dma_start3A_151 = arith.constant 0 : i32
    %dma_start3A_152 = arith.constant 0 : i32
    %dma_start3A_153 = tpu.memref_slice %arg2[%dma_start3A_151, %dma_start3A_152] : memref<100000x64xf32, #tpu.memory_space<hbm>> -> memref<100000x64xf32, #tpu.memory_space<hbm>>
    tpu.enqueue_indirect_dma source(%dma_start3A_153 : memref<100000x64xf32, #tpu.memory_space<hbm>>) target(%dma_start3A_147 : memref<100x64xf32, #tpu.memory_space<vmem>>) offsets(%dma_start3A_150 : memref<100xi32, #tpu.memory_space<vmem>>) semaphore(%arg7 : memref<!tpu.dma_semaphore, #tpu.memory_space<semaphore_mem>>)
    %dma_start3A_154 = arith.constant 15 : i32
    %dma_start3A_155 = arith.constant 1500 : i32
    %dma_start3A_156 = arith.constant 0 : i32
    %dma_start3A_157 = tpu.memref_slice %arg6[%dma_start3A_155, %dma_start3A_156] : memref<1600x64xf32, #tpu.memory_space<vmem>> -> memref<100x64xf32, #tpu.memory_space<vmem>>
    %dma_start3A_158 = arith.constant 0 : i32
    %dma_start3A_159 = tpu.memref_slice %arg5[%dma_start3A_154, %dma_start3A_158] : memref<16x100xi32, #tpu.memory_space<vmem>> -> memref<1x100xi32, #tpu.memory_space<vmem>>
    %dma_start3A_160 = tpu.memref_squeeze %dma_start3A_159 : memref<1x100xi32, #tpu.memory_space<vmem>> -> memref<100xi32, #tpu.memory_space<vmem>>
    %dma_start3A_161 = arith.constant 0 : i32
    %dma_start3A_162 = arith.constant 0 : i32
    %dma_start3A_163 = tpu.memref_slice %arg2[%dma_start3A_161, %dma_start3A_162] : memref<100000x64xf32, #tpu.memory_space<hbm>> -> memref<100000x64xf32, #tpu.memory_space<hbm>>
    tpu.enqueue_indirect_dma source(%dma_start3A_163 : memref<100000x64xf32, #tpu.memory_space<hbm>>) target(%dma_start3A_157 : memref<100x64xf32, #tpu.memory_space<vmem>>) offsets(%dma_start3A_160 : memref<100xi32, #tpu.memory_space<vmem>>) semaphore(%arg7 : memref<!tpu.dma_semaphore, #tpu.memory_space<semaphore_mem>>)
    %dma_wait3A = arith.constant 0 : i32
    %dma_wait3A_164 = arith.constant 0 : i32
    %dma_wait3A_165 = arith.constant 0 : i32
    %dma_wait3A_166 = tpu.memref_slice %arg6[%dma_wait3A_164, %dma_wait3A_165] : memref<1600x64xf32, #tpu.memory_space<vmem>> -> memref<100x64xf32, #tpu.memory_space<vmem>>
    %dma_wait3A_167 = arith.constant 0 : i32
    %dma_wait3A_168 = tpu.memref_slice %arg5[%dma_wait3A, %dma_wait3A_167] : memref<16x100xi32, #tpu.memory_space<vmem>> -> memref<1x100xi32, #tpu.memory_space<vmem>>
    %dma_wait3A_169 = tpu.memref_squeeze %dma_wait3A_168 : memref<1x100xi32, #tpu.memory_space<vmem>> -> memref<100xi32, #tpu.memory_space<vmem>>
    %dma_wait3A_170 = arith.constant 0 : i32
    %dma_wait3A_171 = arith.constant 0 : i32
    %dma_wait3A_172 = tpu.memref_slice %arg2[%dma_wait3A_170, %dma_wait3A_171] : memref<100000x64xf32, #tpu.memory_space<hbm>> -> memref<100000x64xf32, #tpu.memory_space<hbm>>
    tpu.wait_indirect_dma semaphore(%arg7 : memref<!tpu.dma_semaphore, #tpu.memory_space<semaphore_mem>>) src(%dma_wait3A_172 : memref<100000x64xf32, #tpu.memory_space<hbm>>) dst(%dma_wait3A_166 : memref<100x64xf32, #tpu.memory_space<vmem>>)
    %dma_wait3A_173 = arith.constant 1 : i32
    %dma_wait3A_174 = arith.constant 100 : i32
    %dma_wait3A_175 = arith.constant 0 : i32
    %dma_wait3A_176 = tpu.memref_slice %arg6[%dma_wait3A_174, %dma_wait3A_175] : memref<1600x64xf32, #tpu.memory_space<vmem>> -> memref<100x64xf32, #tpu.memory_space<vmem>>
    %dma_wait3A_177 = arith.constant 0 : i32
    %dma_wait3A_178 = tpu.memref_slice %arg5[%dma_wait3A_173, %dma_wait3A_177] : memref<16x100xi32, #tpu.memory_space<vmem>> -> memref<1x100xi32, #tpu.memory_space<vmem>>
    %dma_wait3A_179 = tpu.memref_squeeze %dma_wait3A_178 : memref<1x100xi32, #tpu.memory_space<vmem>> -> memref<100xi32, #tpu.memory_space<vmem>>
    %dma_wait3A_180 = arith.constant 0 : i32
    %dma_wait3A_181 = arith.constant 0 : i32
    %dma_wait3A_182 = tpu.memref_slice %arg2[%dma_wait3A_180, %dma_wait3A_181] : memref<100000x64xf32, #tpu.memory_space<hbm>> -> memref<100000x64xf32, #tpu.memory_space<hbm>>
    tpu.wait_indirect_dma semaphore(%arg7 : memref<!tpu.dma_semaphore, #tpu.memory_space<semaphore_mem>>) src(%dma_wait3A_182 : memref<100000x64xf32, #tpu.memory_space<hbm>>) dst(%dma_wait3A_176 : memref<100x64xf32, #tpu.memory_space<vmem>>)
    %dma_wait3A_183 = arith.constant 2 : i32
    %dma_wait3A_184 = arith.constant 200 : i32
    %dma_wait3A_185 = arith.constant 0 : i32
    %dma_wait3A_186 = tpu.memref_slice %arg6[%dma_wait3A_184, %dma_wait3A_185] : memref<1600x64xf32, #tpu.memory_space<vmem>> -> memref<100x64xf32, #tpu.memory_space<vmem>>
    %dma_wait3A_187 = arith.constant 0 : i32
    %dma_wait3A_188 = tpu.memref_slice %arg5[%dma_wait3A_183, %dma_wait3A_187] : memref<16x100xi32, #tpu.memory_space<vmem>> -> memref<1x100xi32, #tpu.memory_space<vmem>>
    %dma_wait3A_189 = tpu.memref_squeeze %dma_wait3A_188 : memref<1x100xi32, #tpu.memory_space<vmem>> -> memref<100xi32, #tpu.memory_space<vmem>>
    %dma_wait3A_190 = arith.constant 0 : i32
    %dma_wait3A_191 = arith.constant 0 : i32
    %dma_wait3A_192 = tpu.memref_slice %arg2[%dma_wait3A_190, %dma_wait3A_191] : memref<100000x64xf32, #tpu.memory_space<hbm>> -> memref<100000x64xf32, #tpu.memory_space<hbm>>
    tpu.wait_indirect_dma semaphore(%arg7 : memref<!tpu.dma_semaphore, #tpu.memory_space<semaphore_mem>>) src(%dma_wait3A_192 : memref<100000x64xf32, #tpu.memory_space<hbm>>) dst(%dma_wait3A_186 : memref<100x64xf32, #tpu.memory_space<vmem>>)
    %dma_wait3A_193 = arith.constant 3 : i32
    %dma_wait3A_194 = arith.constant 300 : i32
    %dma_wait3A_195 = arith.constant 0 : i32
    %dma_wait3A_196 = tpu.memref_slice %arg6[%dma_wait3A_194, %dma_wait3A_195] : memref<1600x64xf32, #tpu.memory_space<vmem>> -> memref<100x64xf32, #tpu.memory_space<vmem>>
    %dma_wait3A_197 = arith.constant 0 : i32
    %dma_wait3A_198 = tpu.memref_slice %arg5[%dma_wait3A_193, %dma_wait3A_197] : memref<16x100xi32, #tpu.memory_space<vmem>> -> memref<1x100xi32, #tpu.memory_space<vmem>>
    %dma_wait3A_199 = tpu.memref_squeeze %dma_wait3A_198 : memref<1x100xi32, #tpu.memory_space<vmem>> -> memref<100xi32, #tpu.memory_space<vmem>>
    %dma_wait3A_200 = arith.constant 0 : i32
    %dma_wait3A_201 = arith.constant 0 : i32
    %dma_wait3A_202 = tpu.memref_slice %arg2[%dma_wait3A_200, %dma_wait3A_201] : memref<100000x64xf32, #tpu.memory_space<hbm>> -> memref<100000x64xf32, #tpu.memory_space<hbm>>
    tpu.wait_indirect_dma semaphore(%arg7 : memref<!tpu.dma_semaphore, #tpu.memory_space<semaphore_mem>>) src(%dma_wait3A_202 : memref<100000x64xf32, #tpu.memory_space<hbm>>) dst(%dma_wait3A_196 : memref<100x64xf32, #tpu.memory_space<vmem>>)
    %dma_wait3A_203 = arith.constant 4 : i32
    %dma_wait3A_204 = arith.constant 400 : i32
    %dma_wait3A_205 = arith.constant 0 : i32
    %dma_wait3A_206 = tpu.memref_slice %arg6[%dma_wait3A_204, %dma_wait3A_205] : memref<1600x64xf32, #tpu.memory_space<vmem>> -> memref<100x64xf32, #tpu.memory_space<vmem>>
    %dma_wait3A_207 = arith.constant 0 : i32
    %dma_wait3A_208 = tpu.memref_slice %arg5[%dma_wait3A_203, %dma_wait3A_207] : memref<16x100xi32, #tpu.memory_space<vmem>> -> memref<1x100xi32, #tpu.memory_space<vmem>>
    %dma_wait3A_209 = tpu.memref_squeeze %dma_wait3A_208 : memref<1x100xi32, #tpu.memory_space<vmem>> -> memref<100xi32, #tpu.memory_space<vmem>>
    %dma_wait3A_210 = arith.constant 0 : i32
    %dma_wait3A_211 = arith.constant 0 : i32
    %dma_wait3A_212 = tpu.memref_slice %arg2[%dma_wait3A_210, %dma_wait3A_211] : memref<100000x64xf32, #tpu.memory_space<hbm>> -> memref<100000x64xf32, #tpu.memory_space<hbm>>
    tpu.wait_indirect_dma semaphore(%arg7 : memref<!tpu.dma_semaphore, #tpu.memory_space<semaphore_mem>>) src(%dma_wait3A_212 : memref<100000x64xf32, #tpu.memory_space<hbm>>) dst(%dma_wait3A_206 : memref<100x64xf32, #tpu.memory_space<vmem>>)
    %dma_wait3A_213 = arith.constant 5 : i32
    %dma_wait3A_214 = arith.constant 500 : i32
    %dma_wait3A_215 = arith.constant 0 : i32
    %dma_wait3A_216 = tpu.memref_slice %arg6[%dma_wait3A_214, %dma_wait3A_215] : memref<1600x64xf32, #tpu.memory_space<vmem>> -> memref<100x64xf32, #tpu.memory_space<vmem>>
    %dma_wait3A_217 = arith.constant 0 : i32
    %dma_wait3A_218 = tpu.memref_slice %arg5[%dma_wait3A_213, %dma_wait3A_217] : memref<16x100xi32, #tpu.memory_space<vmem>> -> memref<1x100xi32, #tpu.memory_space<vmem>>
    %dma_wait3A_219 = tpu.memref_squeeze %dma_wait3A_218 : memref<1x100xi32, #tpu.memory_space<vmem>> -> memref<100xi32, #tpu.memory_space<vmem>>
    %dma_wait3A_220 = arith.constant 0 : i32
    %dma_wait3A_221 = arith.constant 0 : i32
    %dma_wait3A_222 = tpu.memref_slice %arg2[%dma_wait3A_220, %dma_wait3A_221] : memref<100000x64xf32, #tpu.memory_space<hbm>> -> memref<100000x64xf32, #tpu.memory_space<hbm>>
    tpu.wait_indirect_dma semaphore(%arg7 : memref<!tpu.dma_semaphore, #tpu.memory_space<semaphore_mem>>) src(%dma_wait3A_222 : memref<100000x64xf32, #tpu.memory_space<hbm>>) dst(%dma_wait3A_216 : memref<100x64xf32, #tpu.memory_space<vmem>>)
    %dma_wait3A_223 = arith.constant 6 : i32
    %dma_wait3A_224 = arith.constant 600 : i32
    %dma_wait3A_225 = arith.constant 0 : i32
    %dma_wait3A_226 = tpu.memref_slice %arg6[%dma_wait3A_224, %dma_wait3A_225] : memref<1600x64xf32, #tpu.memory_space<vmem>> -> memref<100x64xf32, #tpu.memory_space<vmem>>
    %dma_wait3A_227 = arith.constant 0 : i32
    %dma_wait3A_228 = tpu.memref_slice %arg5[%dma_wait3A_223, %dma_wait3A_227] : memref<16x100xi32, #tpu.memory_space<vmem>> -> memref<1x100xi32, #tpu.memory_space<vmem>>
    %dma_wait3A_229 = tpu.memref_squeeze %dma_wait3A_228 : memref<1x100xi32, #tpu.memory_space<vmem>> -> memref<100xi32, #tpu.memory_space<vmem>>
    %dma_wait3A_230 = arith.constant 0 : i32
    %dma_wait3A_231 = arith.constant 0 : i32
    %dma_wait3A_232 = tpu.memref_slice %arg2[%dma_wait3A_230, %dma_wait3A_231] : memref<100000x64xf32, #tpu.memory_space<hbm>> -> memref<100000x64xf32, #tpu.memory_space<hbm>>
    tpu.wait_indirect_dma semaphore(%arg7 : memref<!tpu.dma_semaphore, #tpu.memory_space<semaphore_mem>>) src(%dma_wait3A_232 : memref<100000x64xf32, #tpu.memory_space<hbm>>) dst(%dma_wait3A_226 : memref<100x64xf32, #tpu.memory_space<vmem>>)
    %dma_wait3A_233 = arith.constant 7 : i32
    %dma_wait3A_234 = arith.constant 700 : i32
    %dma_wait3A_235 = arith.constant 0 : i32
    %dma_wait3A_236 = tpu.memref_slice %arg6[%dma_wait3A_234, %dma_wait3A_235] : memref<1600x64xf32, #tpu.memory_space<vmem>> -> memref<100x64xf32, #tpu.memory_space<vmem>>
    %dma_wait3A_237 = arith.constant 0 : i32
    %dma_wait3A_238 = tpu.memref_slice %arg5[%dma_wait3A_233, %dma_wait3A_237] : memref<16x100xi32, #tpu.memory_space<vmem>> -> memref<1x100xi32, #tpu.memory_space<vmem>>
    %dma_wait3A_239 = tpu.memref_squeeze %dma_wait3A_238 : memref<1x100xi32, #tpu.memory_space<vmem>> -> memref<100xi32, #tpu.memory_space<vmem>>
    %dma_wait3A_240 = arith.constant 0 : i32
    %dma_wait3A_241 = arith.constant 0 : i32
    %dma_wait3A_242 = tpu.memref_slice %arg2[%dma_wait3A_240, %dma_wait3A_241] : memref<100000x64xf32, #tpu.memory_space<hbm>> -> memref<100000x64xf32, #tpu.memory_space<hbm>>
    tpu.wait_indirect_dma semaphore(%arg7 : memref<!tpu.dma_semaphore, #tpu.memory_space<semaphore_mem>>) src(%dma_wait3A_242 : memref<100000x64xf32, #tpu.memory_space<hbm>>) dst(%dma_wait3A_236 : memref<100x64xf32, #tpu.memory_space<vmem>>)
    %dma_wait3A_243 = arith.constant 8 : i32
    %dma_wait3A_244 = arith.constant 800 : i32
    %dma_wait3A_245 = arith.constant 0 : i32
    %dma_wait3A_246 = tpu.memref_slice %arg6[%dma_wait3A_244, %dma_wait3A_245] : memref<1600x64xf32, #tpu.memory_space<vmem>> -> memref<100x64xf32, #tpu.memory_space<vmem>>
    %dma_wait3A_247 = arith.constant 0 : i32
    %dma_wait3A_248 = tpu.memref_slice %arg5[%dma_wait3A_243, %dma_wait3A_247] : memref<16x100xi32, #tpu.memory_space<vmem>> -> memref<1x100xi32, #tpu.memory_space<vmem>>
    %dma_wait3A_249 = tpu.memref_squeeze %dma_wait3A_248 : memref<1x100xi32, #tpu.memory_space<vmem>> -> memref<100xi32, #tpu.memory_space<vmem>>
    %dma_wait3A_250 = arith.constant 0 : i32
    %dma_wait3A_251 = arith.constant 0 : i32
    %dma_wait3A_252 = tpu.memref_slice %arg2[%dma_wait3A_250, %dma_wait3A_251] : memref<100000x64xf32, #tpu.memory_space<hbm>> -> memref<100000x64xf32, #tpu.memory_space<hbm>>
    tpu.wait_indirect_dma semaphore(%arg7 : memref<!tpu.dma_semaphore, #tpu.memory_space<semaphore_mem>>) src(%dma_wait3A_252 : memref<100000x64xf32, #tpu.memory_space<hbm>>) dst(%dma_wait3A_246 : memref<100x64xf32, #tpu.memory_space<vmem>>)
    %dma_wait3A_253 = arith.constant 9 : i32
    %dma_wait3A_254 = arith.constant 900 : i32
    %dma_wait3A_255 = arith.constant 0 : i32
    %dma_wait3A_256 = tpu.memref_slice %arg6[%dma_wait3A_254, %dma_wait3A_255] : memref<1600x64xf32, #tpu.memory_space<vmem>> -> memref<100x64xf32, #tpu.memory_space<vmem>>
    %dma_wait3A_257 = arith.constant 0 : i32
    %dma_wait3A_258 = tpu.memref_slice %arg5[%dma_wait3A_253, %dma_wait3A_257] : memref<16x100xi32, #tpu.memory_space<vmem>> -> memref<1x100xi32, #tpu.memory_space<vmem>>
    %dma_wait3A_259 = tpu.memref_squeeze %dma_wait3A_258 : memref<1x100xi32, #tpu.memory_space<vmem>> -> memref<100xi32, #tpu.memory_space<vmem>>
    %dma_wait3A_260 = arith.constant 0 : i32
    %dma_wait3A_261 = arith.constant 0 : i32
    %dma_wait3A_262 = tpu.memref_slice %arg2[%dma_wait3A_260, %dma_wait3A_261] : memref<100000x64xf32, #tpu.memory_space<hbm>> -> memref<100000x64xf32, #tpu.memory_space<hbm>>
    tpu.wait_indirect_dma semaphore(%arg7 : memref<!tpu.dma_semaphore, #tpu.memory_space<semaphore_mem>>) src(%dma_wait3A_262 : memref<100000x64xf32, #tpu.memory_space<hbm>>) dst(%dma_wait3A_256 : memref<100x64xf32, #tpu.memory_space<vmem>>)
    %dma_wait3A_263 = arith.constant 10 : i32
    %dma_wait3A_264 = arith.constant 1000 : i32
    %dma_wait3A_265 = arith.constant 0 : i32
    %dma_wait3A_266 = tpu.memref_slice %arg6[%dma_wait3A_264, %dma_wait3A_265] : memref<1600x64xf32, #tpu.memory_space<vmem>> -> memref<100x64xf32, #tpu.memory_space<vmem>>
    %dma_wait3A_267 = arith.constant 0 : i32
    %dma_wait3A_268 = tpu.memref_slice %arg5[%dma_wait3A_263, %dma_wait3A_267] : memref<16x100xi32, #tpu.memory_space<vmem>> -> memref<1x100xi32, #tpu.memory_space<vmem>>
    %dma_wait3A_269 = tpu.memref_squeeze %dma_wait3A_268 : memref<1x100xi32, #tpu.memory_space<vmem>> -> memref<100xi32, #tpu.memory_space<vmem>>
    %dma_wait3A_270 = arith.constant 0 : i32
    %dma_wait3A_271 = arith.constant 0 : i32
    %dma_wait3A_272 = tpu.memref_slice %arg2[%dma_wait3A_270, %dma_wait3A_271] : memref<100000x64xf32, #tpu.memory_space<hbm>> -> memref<100000x64xf32, #tpu.memory_space<hbm>>
    tpu.wait_indirect_dma semaphore(%arg7 : memref<!tpu.dma_semaphore, #tpu.memory_space<semaphore_mem>>) src(%dma_wait3A_272 : memref<100000x64xf32, #tpu.memory_space<hbm>>) dst(%dma_wait3A_266 : memref<100x64xf32, #tpu.memory_space<vmem>>)
    %dma_wait3A_273 = arith.constant 11 : i32
    %dma_wait3A_274 = arith.constant 1100 : i32
    %dma_wait3A_275 = arith.constant 0 : i32
    %dma_wait3A_276 = tpu.memref_slice %arg6[%dma_wait3A_274, %dma_wait3A_275] : memref<1600x64xf32, #tpu.memory_space<vmem>> -> memref<100x64xf32, #tpu.memory_space<vmem>>
    %dma_wait3A_277 = arith.constant 0 : i32
    %dma_wait3A_278 = tpu.memref_slice %arg5[%dma_wait3A_273, %dma_wait3A_277] : memref<16x100xi32, #tpu.memory_space<vmem>> -> memref<1x100xi32, #tpu.memory_space<vmem>>
    %dma_wait3A_279 = tpu.memref_squeeze %dma_wait3A_278 : memref<1x100xi32, #tpu.memory_space<vmem>> -> memref<100xi32, #tpu.memory_space<vmem>>
    %dma_wait3A_280 = arith.constant 0 : i32
    %dma_wait3A_281 = arith.constant 0 : i32
    %dma_wait3A_282 = tpu.memref_slice %arg2[%dma_wait3A_280, %dma_wait3A_281] : memref<100000x64xf32, #tpu.memory_space<hbm>> -> memref<100000x64xf32, #tpu.memory_space<hbm>>
    tpu.wait_indirect_dma semaphore(%arg7 : memref<!tpu.dma_semaphore, #tpu.memory_space<semaphore_mem>>) src(%dma_wait3A_282 : memref<100000x64xf32, #tpu.memory_space<hbm>>) dst(%dma_wait3A_276 : memref<100x64xf32, #tpu.memory_space<vmem>>)
    %dma_wait3A_283 = arith.constant 12 : i32
    %dma_wait3A_284 = arith.constant 1200 : i32
    %dma_wait3A_285 = arith.constant 0 : i32
    %dma_wait3A_286 = tpu.memref_slice %arg6[%dma_wait3A_284, %dma_wait3A_285] : memref<1600x64xf32, #tpu.memory_space<vmem>> -> memref<100x64xf32, #tpu.memory_space<vmem>>
    %dma_wait3A_287 = arith.constant 0 : i32
    %dma_wait3A_288 = tpu.memref_slice %arg5[%dma_wait3A_283, %dma_wait3A_287] : memref<16x100xi32, #tpu.memory_space<vmem>> -> memref<1x100xi32, #tpu.memory_space<vmem>>
    %dma_wait3A_289 = tpu.memref_squeeze %dma_wait3A_288 : memref<1x100xi32, #tpu.memory_space<vmem>> -> memref<100xi32, #tpu.memory_space<vmem>>
    %dma_wait3A_290 = arith.constant 0 : i32
    %dma_wait3A_291 = arith.constant 0 : i32
    %dma_wait3A_292 = tpu.memref_slice %arg2[%dma_wait3A_290, %dma_wait3A_291] : memref<100000x64xf32, #tpu.memory_space<hbm>> -> memref<100000x64xf32, #tpu.memory_space<hbm>>
    tpu.wait_indirect_dma semaphore(%arg7 : memref<!tpu.dma_semaphore, #tpu.memory_space<semaphore_mem>>) src(%dma_wait3A_292 : memref<100000x64xf32, #tpu.memory_space<hbm>>) dst(%dma_wait3A_286 : memref<100x64xf32, #tpu.memory_space<vmem>>)
    %dma_wait3A_293 = arith.constant 13 : i32
    %dma_wait3A_294 = arith.constant 1300 : i32
    %dma_wait3A_295 = arith.constant 0 : i32
    %dma_wait3A_296 = tpu.memref_slice %arg6[%dma_wait3A_294, %dma_wait3A_295] : memref<1600x64xf32, #tpu.memory_space<vmem>> -> memref<100x64xf32, #tpu.memory_space<vmem>>
    %dma_wait3A_297 = arith.constant 0 : i32
    %dma_wait3A_298 = tpu.memref_slice %arg5[%dma_wait3A_293, %dma_wait3A_297] : memref<16x100xi32, #tpu.memory_space<vmem>> -> memref<1x100xi32, #tpu.memory_space<vmem>>
    %dma_wait3A_299 = tpu.memref_squeeze %dma_wait3A_298 : memref<1x100xi32, #tpu.memory_space<vmem>> -> memref<100xi32, #tpu.memory_space<vmem>>
    %dma_wait3A_300 = arith.constant 0 : i32
    %dma_wait3A_301 = arith.constant 0 : i32
    %dma_wait3A_302 = tpu.memref_slice %arg2[%dma_wait3A_300, %dma_wait3A_301] : memref<100000x64xf32, #tpu.memory_space<hbm>> -> memref<100000x64xf32, #tpu.memory_space<hbm>>
    tpu.wait_indirect_dma semaphore(%arg7 : memref<!tpu.dma_semaphore, #tpu.memory_space<semaphore_mem>>) src(%dma_wait3A_302 : memref<100000x64xf32, #tpu.memory_space<hbm>>) dst(%dma_wait3A_296 : memref<100x64xf32, #tpu.memory_space<vmem>>)
    %dma_wait3A_303 = arith.constant 14 : i32
    %dma_wait3A_304 = arith.constant 1400 : i32
    %dma_wait3A_305 = arith.constant 0 : i32
    %dma_wait3A_306 = tpu.memref_slice %arg6[%dma_wait3A_304, %dma_wait3A_305] : memref<1600x64xf32, #tpu.memory_space<vmem>> -> memref<100x64xf32, #tpu.memory_space<vmem>>
    %dma_wait3A_307 = arith.constant 0 : i32
    %dma_wait3A_308 = tpu.memref_slice %arg5[%dma_wait3A_303, %dma_wait3A_307] : memref<16x100xi32, #tpu.memory_space<vmem>> -> memref<1x100xi32, #tpu.memory_space<vmem>>
    %dma_wait3A_309 = tpu.memref_squeeze %dma_wait3A_308 : memref<1x100xi32, #tpu.memory_space<vmem>> -> memref<100xi32, #tpu.memory_space<vmem>>
    %dma_wait3A_310 = arith.constant 0 : i32
    %dma_wait3A_311 = arith.constant 0 : i32
    %dma_wait3A_312 = tpu.memref_slice %arg2[%dma_wait3A_310, %dma_wait3A_311] : memref<100000x64xf32, #tpu.memory_space<hbm>> -> memref<100000x64xf32, #tpu.memory_space<hbm>>
    tpu.wait_indirect_dma semaphore(%arg7 : memref<!tpu.dma_semaphore, #tpu.memory_space<semaphore_mem>>) src(%dma_wait3A_312 : memref<100000x64xf32, #tpu.memory_space<hbm>>) dst(%dma_wait3A_306 : memref<100x64xf32, #tpu.memory_space<vmem>>)
    %dma_wait3A_313 = arith.constant 15 : i32
    %dma_wait3A_314 = arith.constant 1500 : i32
    %dma_wait3A_315 = arith.constant 0 : i32
    %dma_wait3A_316 = tpu.memref_slice %arg6[%dma_wait3A_314, %dma_wait3A_315] : memref<1600x64xf32, #tpu.memory_space<vmem>> -> memref<100x64xf32, #tpu.memory_space<vmem>>
    %dma_wait3A_317 = arith.constant 0 : i32
    %dma_wait3A_318 = tpu.memref_slice %arg5[%dma_wait3A_313, %dma_wait3A_317] : memref<16x100xi32, #tpu.memory_space<vmem>> -> memref<1x100xi32, #tpu.memory_space<vmem>>
    %dma_wait3A_319 = tpu.memref_squeeze %dma_wait3A_318 : memref<1x100xi32, #tpu.memory_space<vmem>> -> memref<100xi32, #tpu.memory_space<vmem>>
    %dma_wait3A_320 = arith.constant 0 : i32
    %dma_wait3A_321 = arith.constant 0 : i32
    %dma_wait3A_322 = tpu.memref_slice %arg2[%dma_wait3A_320, %dma_wait3A_321] : memref<100000x64xf32, #tpu.memory_space<hbm>> -> memref<100000x64xf32, #tpu.memory_space<hbm>>
    tpu.wait_indirect_dma semaphore(%arg7 : memref<!tpu.dma_semaphore, #tpu.memory_space<semaphore_mem>>) src(%dma_wait3A_322 : memref<100000x64xf32, #tpu.memory_space<hbm>>) dst(%dma_wait3A_316 : memref<100x64xf32, #tpu.memory_space<vmem>>)
    "tpu.region"() ({
      %run_scoped3A = tpu.sem_alloc : memref<!tpu.dma_semaphore, #tpu.memory_space<semaphore_mem>>
      %dma_start3A_323 = arith.constant 0 : i32
      %dma_start3A_324 = tpu.memref_slice %arg4[%mul3A_2, %dma_start3A_323] : memref<51200x64xf32, #tpu.memory_space<hbm>> -> memref<1600x64xf32, #tpu.memory_space<hbm>>
      %dma_start3A_325 = arith.constant 0 : i32
      %dma_start3A_326 = tpu.memref_slice %arg4[%mul3A_2, %dma_start3A_325] : memref<51200x64xf32, #tpu.memory_space<hbm>> -> memref<1600x64xf32, #tpu.memory_space<hbm>>
      tpu.enqueue_dma source(%arg6 : memref<1600x64xf32, #tpu.memory_space<vmem>>) target(%dma_start3A_326 : memref<1600x64xf32, #tpu.memory_space<hbm>>) target_semaphore(%run_scoped3A : memref<!tpu.dma_semaphore, #tpu.memory_space<semaphore_mem>>)
      %dma_wait3A_327 = arith.constant 0 : i32
      %dma_wait3A_328 = tpu.memref_slice %arg4[%mul3A_2, %dma_wait3A_327] : memref<51200x64xf32, #tpu.memory_space<hbm>> -> memref<1600x64xf32, #tpu.memory_space<hbm>>
      %dma_wait3A_329 = arith.constant 0 : i32
      %dma_wait3A_330 = tpu.memref_slice %arg4[%mul3A_2, %dma_wait3A_329] : memref<51200x64xf32, #tpu.memory_space<hbm>> -> memref<1600x64xf32, #tpu.memory_space<hbm>>
      tpu.wait_dma2 semaphore(%run_scoped3A : memref<!tpu.dma_semaphore, #tpu.memory_space<semaphore_mem>>) src(%arg6 : memref<1600x64xf32, #tpu.memory_space<vmem>>) dst(%dma_wait3A_330 : memref<1600x64xf32, #tpu.memory_space<hbm>>)
      tpu.yield
    }) : () -> ()
    return
  }
}

module attributes {stable_mosaic.version = 14 : i64} {
  func.func @_mlp_body(%arg0: i32, %arg1: memref<32x50x16xi32, #tpu.memory_space<vmem>>, %arg2: memref<1600x64xf32, #tpu.memory_space<vmem>>, %arg3: memref<16x1664xbf16, #tpu.memory_space<vmem>>, %arg4: memref<1x1664xf32, #tpu.memory_space<vmem>>, %arg5: memref<208x128xbf16, #tpu.memory_space<vmem>>, %arg6: memref<128x256xf32, #tpu.memory_space<vmem>>, %arg7: memref<1x256xf32, #tpu.memory_space<vmem>>, %arg8: memref<128x256xf32, #tpu.memory_space<vmem>>, %arg9: memref<1x256xf32, #tpu.memory_space<vmem>>, %arg10: memref<32x50x128xf32, #tpu.memory_space<vmem>>) attributes {dimension_semantics = [#tpu.dimension_semantics<arbitrary>], iteration_bounds = array<i64: 32>, scalar_prefetch = 0 : i64, scratch_operands = 0 : i64, tpu.core_type = #tpu.core_type<tc>, window_params = [{transform_indices = @transform_0, window_bounds = array<i64: 32, 50, 16>}, {transform_indices = @transform_1, window_bounds = array<i64: 1600, 64>}, {pipeline_mode = #tpu.pipeline_mode<synchronous>, transform_indices = @transform_2, window_bounds = array<i64: 16, 1664>}, {pipeline_mode = #tpu.pipeline_mode<synchronous>, transform_indices = @transform_3, window_bounds = array<i64: 1, 1664>}, {pipeline_mode = #tpu.pipeline_mode<synchronous>, transform_indices = @transform_4, window_bounds = array<i64: 208, 128>}, {pipeline_mode = #tpu.pipeline_mode<synchronous>, transform_indices = @transform_5, window_bounds = array<i64: 128, 256>}, {pipeline_mode = #tpu.pipeline_mode<synchronous>, transform_indices = @transform_6, window_bounds = array<i64: 1, 256>}, {pipeline_mode = #tpu.pipeline_mode<synchronous>, transform_indices = @transform_7, window_bounds = array<i64: 128, 256>}, {pipeline_mode = #tpu.pipeline_mode<synchronous>, transform_indices = @transform_8, window_bounds = array<i64: 1, 256>}, {transform_indices = @transform_9, window_bounds = array<i64: 32, 50, 128>}]} {
    %get3A = arith.constant 0 : index
    %get3A_0 = arith.constant 0 : index
    %get3A_1 = arith.constant 0 : index
    %get3A_2 = vector.load %arg1[%get3A, %get3A_0, %get3A_1] : memref<32x50x16xi32, #tpu.memory_space<vmem>>, vector<32x50x16xi32>
    %reshape3A = vector.shape_cast %get3A_2 : vector<32x50x16xi32> to vector<1600x16xi32>
    %convert_element_type3A = arith.sitofp %reshape3A : vector<1600x16xi32> to vector<1600x16xbf16>
    %get3A_3 = arith.constant 0 : index
    %get3A_4 = arith.constant 0 : index
    %get3A_5 = vector.load %arg3[%get3A_3, %get3A_4] : memref<16x1664xbf16, #tpu.memory_space<vmem>>, vector<16x1664xbf16>
    %dot_general3A = arith.constant dense<0.000000e+00> : vector<1600x1664xf32>
    %dot_general3A_6 = tpu.matmul %convert_element_type3A, %get3A_5, %dot_general3A {dimension_numbers = #tpu.dot_dimension_numbers<[1], [0], [0], [1], [0, 0, 1, 1], [], []>, transpose_lhs_hint = false} : vector<1600x16xbf16>, vector<16x1664xbf16>, vector<1600x1664xf32> -> vector<1600x1664xf32>
    %get3A_7 = arith.constant 0 : index
    %get3A_8 = arith.constant 0 : index
    %get3A_9 = vector.load %arg4[%get3A_7, %get3A_8] : memref<1x1664xf32, #tpu.memory_space<vmem>>, vector<1x1664xf32>
    %eq3A = vector.broadcast %get3A_9 : vector<1x1664xf32> to vector<1600x1664xf32>
    %eq3A_10 = arith.cmpf oeq, %dot_general3A_6, %eq3A : vector<1600x1664xf32>
    %convert_element_type3A_11 = arith.extui %eq3A_10 : vector<1600x1664xi1> to vector<1600x1664xi32>
    %convert_element_type3A_12 = arith.sitofp %convert_element_type3A_11 : vector<1600x1664xi32> to vector<1600x1664xf32>
    %convert_element_type3A_13 = arith.truncf %convert_element_type3A_12 : vector<1600x1664xf32> to vector<1600x1664xbf16>
    %get3A_14 = arith.constant 0 : index
    %get3A_15 = arith.constant 0 : index
    %get3A_16 = vector.load %arg5[%get3A_14, %get3A_15] : memref<208x128xbf16, #tpu.memory_space<vmem>>, vector<208x128xbf16>
    %broadcast_in_dim3A = arith.constant 0xFF800000 : f32
    %broadcast_in_dim3A_17 = vector.broadcast %broadcast_in_dim3A : f32 to vector<1600x128xf32>
    %slice3A = vector.extract_strided_slice %convert_element_type3A_13 {offsets = [0, 0], sizes = [1600, 208], strides = [1, 1]} : vector<1600x1664xbf16> to vector<1600x208xbf16>
    %dot_general3A_18 = arith.constant dense<0.000000e+00> : vector<1600x128xf32>
    %dot_general3A_19 = tpu.matmul %slice3A, %get3A_16, %dot_general3A_18 {dimension_numbers = #tpu.dot_dimension_numbers<[1], [0], [0], [1], [0, 0, 1, 1], [], []>, transpose_lhs_hint = false} : vector<1600x208xbf16>, vector<208x128xbf16>, vector<1600x128xf32> -> vector<1600x128xf32>
    %max3A = arith.maximumf %broadcast_in_dim3A_17, %dot_general3A_19 : vector<1600x128xf32>
    %slice3A_20 = vector.extract_strided_slice %convert_element_type3A_13 {offsets = [0, 208], sizes = [1600, 208], strides = [1, 1]} : vector<1600x1664xbf16> to vector<1600x208xbf16>
    %dot_general3A_21 = arith.constant dense<0.000000e+00> : vector<1600x128xf32>
    %dot_general3A_22 = tpu.matmul %slice3A_20, %get3A_16, %dot_general3A_21 {dimension_numbers = #tpu.dot_dimension_numbers<[1], [0], [0], [1], [0, 0, 1, 1], [], []>, transpose_lhs_hint = false} : vector<1600x208xbf16>, vector<208x128xbf16>, vector<1600x128xf32> -> vector<1600x128xf32>
    %max3A_23 = arith.maximumf %max3A, %dot_general3A_22 : vector<1600x128xf32>
    %slice3A_24 = vector.extract_strided_slice %convert_element_type3A_13 {offsets = [0, 416], sizes = [1600, 208], strides = [1, 1]} : vector<1600x1664xbf16> to vector<1600x208xbf16>
    %dot_general3A_25 = arith.constant dense<0.000000e+00> : vector<1600x128xf32>
    %dot_general3A_26 = tpu.matmul %slice3A_24, %get3A_16, %dot_general3A_25 {dimension_numbers = #tpu.dot_dimension_numbers<[1], [0], [0], [1], [0, 0, 1, 1], [], []>, transpose_lhs_hint = false} : vector<1600x208xbf16>, vector<208x128xbf16>, vector<1600x128xf32> -> vector<1600x128xf32>
    %max3A_27 = arith.maximumf %max3A_23, %dot_general3A_26 : vector<1600x128xf32>
    %slice3A_28 = vector.extract_strided_slice %convert_element_type3A_13 {offsets = [0, 624], sizes = [1600, 208], strides = [1, 1]} : vector<1600x1664xbf16> to vector<1600x208xbf16>
    %dot_general3A_29 = arith.constant dense<0.000000e+00> : vector<1600x128xf32>
    %dot_general3A_30 = tpu.matmul %slice3A_28, %get3A_16, %dot_general3A_29 {dimension_numbers = #tpu.dot_dimension_numbers<[1], [0], [0], [1], [0, 0, 1, 1], [], []>, transpose_lhs_hint = false} : vector<1600x208xbf16>, vector<208x128xbf16>, vector<1600x128xf32> -> vector<1600x128xf32>
    %max3A_31 = arith.maximumf %max3A_27, %dot_general3A_30 : vector<1600x128xf32>
    %slice3A_32 = vector.extract_strided_slice %convert_element_type3A_13 {offsets = [0, 832], sizes = [1600, 208], strides = [1, 1]} : vector<1600x1664xbf16> to vector<1600x208xbf16>
    %dot_general3A_33 = arith.constant dense<0.000000e+00> : vector<1600x128xf32>
    %dot_general3A_34 = tpu.matmul %slice3A_32, %get3A_16, %dot_general3A_33 {dimension_numbers = #tpu.dot_dimension_numbers<[1], [0], [0], [1], [0, 0, 1, 1], [], []>, transpose_lhs_hint = false} : vector<1600x208xbf16>, vector<208x128xbf16>, vector<1600x128xf32> -> vector<1600x128xf32>
    %max3A_35 = arith.maximumf %max3A_31, %dot_general3A_34 : vector<1600x128xf32>
    %slice3A_36 = vector.extract_strided_slice %convert_element_type3A_13 {offsets = [0, 1040], sizes = [1600, 208], strides = [1, 1]} : vector<1600x1664xbf16> to vector<1600x208xbf16>
    %dot_general3A_37 = arith.constant dense<0.000000e+00> : vector<1600x128xf32>
    %dot_general3A_38 = tpu.matmul %slice3A_36, %get3A_16, %dot_general3A_37 {dimension_numbers = #tpu.dot_dimension_numbers<[1], [0], [0], [1], [0, 0, 1, 1], [], []>, transpose_lhs_hint = false} : vector<1600x208xbf16>, vector<208x128xbf16>, vector<1600x128xf32> -> vector<1600x128xf32>
    %max3A_39 = arith.maximumf %max3A_35, %dot_general3A_38 : vector<1600x128xf32>
    %slice3A_40 = vector.extract_strided_slice %convert_element_type3A_13 {offsets = [0, 1248], sizes = [1600, 208], strides = [1, 1]} : vector<1600x1664xbf16> to vector<1600x208xbf16>
    %dot_general3A_41 = arith.constant dense<0.000000e+00> : vector<1600x128xf32>
    %dot_general3A_42 = tpu.matmul %slice3A_40, %get3A_16, %dot_general3A_41 {dimension_numbers = #tpu.dot_dimension_numbers<[1], [0], [0], [1], [0, 0, 1, 1], [], []>, transpose_lhs_hint = false} : vector<1600x208xbf16>, vector<208x128xbf16>, vector<1600x128xf32> -> vector<1600x128xf32>
    %max3A_43 = arith.maximumf %max3A_39, %dot_general3A_42 : vector<1600x128xf32>
    %slice3A_44 = vector.extract_strided_slice %convert_element_type3A_13 {offsets = [0, 1456], sizes = [1600, 208], strides = [1, 1]} : vector<1600x1664xbf16> to vector<1600x208xbf16>
    %dot_general3A_45 = arith.constant dense<0.000000e+00> : vector<1600x128xf32>
    %dot_general3A_46 = tpu.matmul %slice3A_44, %get3A_16, %dot_general3A_45 {dimension_numbers = #tpu.dot_dimension_numbers<[1], [0], [0], [1], [0, 0, 1, 1], [], []>, transpose_lhs_hint = false} : vector<1600x208xbf16>, vector<208x128xbf16>, vector<1600x128xf32> -> vector<1600x128xf32>
    %max3A_47 = arith.maximumf %max3A_43, %dot_general3A_46 : vector<1600x128xf32>
    %slice3A_48 = vector.extract_strided_slice %max3A_47 {offsets = [0, 0], sizes = [1600, 64], strides = [1, 1]} : vector<1600x128xf32> to vector<1600x64xf32>
    %slice3A_49 = vector.extract_strided_slice %max3A_47 {offsets = [0, 64], sizes = [1600, 64], strides = [1, 1]} : vector<1600x128xf32> to vector<1600x64xf32>
    %max3A_50 = arith.maximumf %slice3A_48, %slice3A_49 : vector<1600x64xf32>
    %get3A_51 = arith.constant 0 : index
    %get3A_52 = arith.constant 0 : index
    %get3A_53 = vector.load %arg2[%get3A_51, %get3A_52] : memref<1600x64xf32, #tpu.memory_space<vmem>>, vector<1600x64xf32>
    %concatenate3A = tpu.concatenate %max3A_50, %get3A_53 in 1 : vector<1600x64xf32>, vector<1600x64xf32> -> vector<1600x128xf32>
    %get3A_54 = arith.constant 0 : index
    %get3A_55 = arith.constant 0 : index
    %get3A_56 = vector.load %arg6[%get3A_54, %get3A_55] : memref<128x256xf32, #tpu.memory_space<vmem>>, vector<128x256xf32>
    %get3A_57 = arith.constant 0 : index
    %get3A_58 = arith.constant 0 : index
    %get3A_59 = vector.load %arg7[%get3A_57, %get3A_58] : memref<1x256xf32, #tpu.memory_space<vmem>>, vector<1x256xf32>
    %dot_general3A_60 = arith.constant dense<0.000000e+00> : vector<1600x256xf32>
    %dot_general3A_61 = tpu.matmul %concatenate3A, %get3A_56, %dot_general3A_60 {dimension_numbers = #tpu.dot_dimension_numbers<[1], [0], [0], [1], [0, 0, 1, 1], [], []>, transpose_lhs_hint = false} : vector<1600x128xf32>, vector<128x256xf32>, vector<1600x256xf32> -> vector<1600x256xf32>
    %add3A = vector.broadcast %get3A_59 : vector<1x256xf32> to vector<1600x256xf32>
    %add3A_62 = arith.addf %dot_general3A_61, %add3A : vector<1600x256xf32>
    %slice3A_63 = vector.extract_strided_slice %add3A_62 {offsets = [0, 0], sizes = [1600, 128], strides = [1, 1]} : vector<1600x256xf32> to vector<1600x128xf32>
    %max3A_64 = arith.constant 0.000000e+00 : f32
    %max3A_65 = vector.broadcast %max3A_64 : f32 to vector<1600x128xf32>
    %max3A_66 = arith.maximumf %slice3A_63, %max3A_65 : vector<1600x128xf32>
    %slice3A_67 = vector.extract_strided_slice %add3A_62 {offsets = [0, 128], sizes = [1600, 128], strides = [1, 1]} : vector<1600x256xf32> to vector<1600x128xf32>
    %neg3A = arith.constant 0.000000e+00 : f32
    %neg3A_68 = vector.broadcast %neg3A : f32 to vector<1600x128xf32>
    %neg3A_69 = arith.subf %neg3A_68, %slice3A_67 : vector<1600x128xf32>
    %exp3A = math.exp %neg3A_69 : vector<1600x128xf32>
    %add3A_70 = arith.constant 1.000000e+00 : f32
    %add3A_71 = vector.broadcast %add3A_70 : f32 to vector<1600x128xf32>
    %add3A_72 = arith.addf %add3A_71, %exp3A : vector<1600x128xf32>
    %div3A = arith.constant 1.000000e+00 : f32
    %div3A_73 = vector.broadcast %div3A : f32 to vector<1600x128xf32>
    %div3A_74 = arith.divf %div3A_73, %add3A_72 : vector<1600x128xf32>
    %mul3A = arith.mulf %concatenate3A, %div3A_74 : vector<1600x128xf32>
    %sub3A = arith.constant 1.000000e+00 : f32
    %sub3A_75 = vector.broadcast %sub3A : f32 to vector<1600x128xf32>
    %sub3A_76 = arith.subf %sub3A_75, %div3A_74 : vector<1600x128xf32>
    %mul3A_77 = arith.mulf %max3A_66, %sub3A_76 : vector<1600x128xf32>
    %add3A_78 = arith.addf %mul3A, %mul3A_77 : vector<1600x128xf32>
    %get3A_79 = arith.constant 0 : index
    %get3A_80 = arith.constant 0 : index
    %get3A_81 = vector.load %arg8[%get3A_79, %get3A_80] : memref<128x256xf32, #tpu.memory_space<vmem>>, vector<128x256xf32>
    %get3A_82 = arith.constant 0 : index
    %get3A_83 = arith.constant 0 : index
    %get3A_84 = vector.load %arg9[%get3A_82, %get3A_83] : memref<1x256xf32, #tpu.memory_space<vmem>>, vector<1x256xf32>
    %dot_general3A_85 = arith.constant dense<0.000000e+00> : vector<1600x256xf32>
    %dot_general3A_86 = tpu.matmul %add3A_78, %get3A_81, %dot_general3A_85 {dimension_numbers = #tpu.dot_dimension_numbers<[1], [0], [0], [1], [0, 0, 1, 1], [], []>, transpose_lhs_hint = false} : vector<1600x128xf32>, vector<128x256xf32>, vector<1600x256xf32> -> vector<1600x256xf32>
    %add3A_87 = vector.broadcast %get3A_84 : vector<1x256xf32> to vector<1600x256xf32>
    %add3A_88 = arith.addf %dot_general3A_86, %add3A_87 : vector<1600x256xf32>
    %slice3A_89 = vector.extract_strided_slice %add3A_88 {offsets = [0, 0], sizes = [1600, 128], strides = [1, 1]} : vector<1600x256xf32> to vector<1600x128xf32>
    %max3A_90 = arith.constant 0.000000e+00 : f32
    %max3A_91 = vector.broadcast %max3A_90 : f32 to vector<1600x128xf32>
    %max3A_92 = arith.maximumf %slice3A_89, %max3A_91 : vector<1600x128xf32>
    %slice3A_93 = vector.extract_strided_slice %add3A_88 {offsets = [0, 128], sizes = [1600, 128], strides = [1, 1]} : vector<1600x256xf32> to vector<1600x128xf32>
    %neg3A_94 = arith.constant 0.000000e+00 : f32
    %neg3A_95 = vector.broadcast %neg3A_94 : f32 to vector<1600x128xf32>
    %neg3A_96 = arith.subf %neg3A_95, %slice3A_93 : vector<1600x128xf32>
    %exp3A_97 = math.exp %neg3A_96 : vector<1600x128xf32>
    %add3A_98 = arith.constant 1.000000e+00 : f32
    %add3A_99 = vector.broadcast %add3A_98 : f32 to vector<1600x128xf32>
    %add3A_100 = arith.addf %add3A_99, %exp3A_97 : vector<1600x128xf32>
    %div3A_101 = arith.constant 1.000000e+00 : f32
    %div3A_102 = vector.broadcast %div3A_101 : f32 to vector<1600x128xf32>
    %div3A_103 = arith.divf %div3A_102, %add3A_100 : vector<1600x128xf32>
    %mul3A_104 = arith.mulf %add3A_78, %div3A_103 : vector<1600x128xf32>
    %sub3A_105 = arith.constant 1.000000e+00 : f32
    %sub3A_106 = vector.broadcast %sub3A_105 : f32 to vector<1600x128xf32>
    %sub3A_107 = arith.subf %sub3A_106, %div3A_103 : vector<1600x128xf32>
    %mul3A_108 = arith.mulf %max3A_92, %sub3A_107 : vector<1600x128xf32>
    %add3A_109 = arith.addf %mul3A_104, %mul3A_108 : vector<1600x128xf32>
    %reshape3A_110 = vector.shape_cast %add3A_109 : vector<1600x128xf32> to vector<32x50x128xf32>
    %swap3A = arith.constant 0 : index
    %swap3A_111 = arith.constant 0 : index
    %swap3A_112 = arith.constant 0 : index
    %swap3A_113 = vector.load %arg10[%swap3A, %swap3A_111, %swap3A_112] : memref<32x50x128xf32, #tpu.memory_space<vmem>>, vector<32x50x128xf32>
    tpu.vector_store %arg10[%swap3A, %swap3A_111, %swap3A_112], %reshape3A_110 {strides = array<i32>} : memref<32x50x128xf32, #tpu.memory_space<vmem>>, vector<32x50x128xf32>,
    return
  }
  func.func @transform_0(%arg0: i32) -> (i32, i32, i32) {
    %add3A = arith.constant 0 : i32
    %add3A_0 = arith.addi %add3A, %arg0 : i32
    %c0_i32 = arith.constant 0 : i32
    %c0_i32_1 = arith.constant 0 : i32
    %c0_i32_2 = arith.constant 0 : i32
    return %add3A_0, %c0_i32, %c0_i32_1 : i32, i32, i32
  }
  func.func @transform_1(%arg0: i32) -> (i32, i32) {
    %c0_i32 = arith.constant 0 : i32
    %c0_i32_0 = arith.constant 0 : i32
    return %arg0, %c0_i32 : i32, i32
  }
  func.func @transform_2(%arg0: i32) -> (i32, i32) {
    %c0_i32 = arith.constant 0 : i32
    %c0_i32_0 = arith.constant 0 : i32
    %c0_i32_1 = arith.constant 0 : i32
    return %c0_i32, %c0_i32_0 : i32, i32
  }
  func.func @transform_3(%arg0: i32) -> (i32, i32) {
    %c0_i32 = arith.constant 0 : i32
    %c0_i32_0 = arith.constant 0 : i32
    %c0_i32_1 = arith.constant 0 : i32
    return %c0_i32, %c0_i32_0 : i32, i32
  }
  func.func @transform_4(%arg0: i32) -> (i32, i32) {
    %c0_i32 = arith.constant 0 : i32
    %c0_i32_0 = arith.constant 0 : i32
    %c0_i32_1 = arith.constant 0 : i32
    return %c0_i32, %c0_i32_0 : i32, i32
  }
  func.func @transform_5(%arg0: i32) -> (i32, i32) {
    %c0_i32 = arith.constant 0 : i32
    %c0_i32_0 = arith.constant 0 : i32
    %c0_i32_1 = arith.constant 0 : i32
    return %c0_i32, %c0_i32_0 : i32, i32
  }
  func.func @transform_6(%arg0: i32) -> (i32, i32) {
    %c0_i32 = arith.constant 0 : i32
    %c0_i32_0 = arith.constant 0 : i32
    %c0_i32_1 = arith.constant 0 : i32
    return %c0_i32, %c0_i32_0 : i32, i32
  }
  func.func @transform_7(%arg0: i32) -> (i32, i32) {
    %c0_i32 = arith.constant 0 : i32
    %c0_i32_0 = arith.constant 0 : i32
    %c0_i32_1 = arith.constant 0 : i32
    return %c0_i32, %c0_i32_0 : i32, i32
  }
  func.func @transform_8(%arg0: i32) -> (i32, i32) {
    %c0_i32 = arith.constant 0 : i32
    %c0_i32_0 = arith.constant 0 : i32
    %c0_i32_1 = arith.constant 0 : i32
    return %c0_i32, %c0_i32_0 : i32, i32
  }
  func.func @transform_9(%arg0: i32) -> (i32, i32, i32) {
    %add3A = arith.constant 0 : i32
    %add3A_0 = arith.addi %add3A, %arg0 : i32
    %c0_i32 = arith.constant 0 : i32
    %c0_i32_1 = arith.constant 0 : i32
    %c0_i32_2 = arith.constant 0 : i32
    return %add3A_0, %c0_i32, %c0_i32_1 : i32, i32, i32
  }
}

</mosaic_0001>

<sc_bundles>
// kernel: kernel.4.cloned.1.call-start
scs
__scs_entry_jumppad:
0x0: {  	(pc) =	sbr.rel $0x88, $3  }
0x1: {  	(tag) =	ssettag $0x0;
	lr =	simm.s32 $0x1  }
0x2: {  	[smem:$0x3F95] =	sst lr;
	_ =	strace $0xD0000000  }
0x3: {  	_ = 	snop  }
0x4: {  	_ = 	snop  }
0x5: {  	_ = 	snop  }
0x6: {  	_ = 	snop  }
0x7: {  	_ = 	snop  }
__scs_overlays_trampoline_lowered:
0x8: {  	[smem:$0x3FA4] =	sst s0  }
0x9: {  	[smem:$0x3FA5] =	sst s1  }
0xa: {  	[smem:$0x3FA6] =	sst s2  }
0xb: {  	[smem:$0x3FA7] =	sst s3  }
0xc: {  	[smem:$0x3FA8] =	sst s4  }
0xd: {  	[smem:$0x3FA9] =	sst s5  }
0xe: {  	[smem:$0x3FAA] =	sst s6  }
0xf: {  	[smem:$0x3FAB] =	sst s7  }
0x10: {  	[smem:$0x3FAC] =	sst s8  }
0x11: {  	[smem:$0x3FAD] =	sst s9;
	s0 =	simm.s32 @!p0 $0x0  }
0x12: {  	s1 =	sld [smem:$0x3F93];
	s0 =	simm.s32 @p0 $0x1  }
0x13: {  	[smem:$0x3FAE] =	sst s0;
	s0 =	simm.s32 @!p1 $0x0  }
0x14: {  	s2 =	sld [smem:$0x3F92];
	s0 =	simm.s32 @p1 $0x1  }
0x15: {  	[smem:$0x3FAF] =	sst s0;
	s0 =	simm.s32 @!p2 $0x0  }
0x16: {  	s3 =	sld [smem:$0x3FDB];
	s0 =	simm.s32 @p2 $0x1  }
0x17: {  	s4 =	simm.s32 $0x1BF5;
	[smem:$0x3FB1] =	sst s0  }
0x18: {  	s0 =	sld [smem:$0x3F94];
	_ =	swait.ge [sflag:s4], $0x0  }
0x19: {  	s7 =	sld [smem:$0x3F95]  }
0x1a: {  	s8 =	sadd.s32 $0xFFFFE003, lr  }
0x1b: {  	s9 =	sadd.s32 $0xFFFFFEF7, lr;
	s5 =	simm.s32 $0xFFFFFFFF;
	p2 =	slt.u32 s8, $0xFFFFF086  }
0x1c: {  	p1 =	slt.u32 s9, $0xF7A;
	s5 =	simm.s32 @!p2 $0x0  }
0x1d: {  	s5 =	simm.s32 @p1 $0x1;
	p0 =	seq.s32 s7, s2  }
0x1e: {  	s7 =	smul.u32 @!p0 $0xF7A, s2;
	p2 =	seq.s32 @!p0 s5, $0x0  }
0x1f: {  	s9 =	smul.u32 $0xF7A, s1;
	s8 =	simm.s32 @!p0 $0x1BF5;
	p2 =	por !p2, p0  }
0x20: {  	[sflag:s8] =	ssyncset.s32 @!p0 $0xFFFFF086;
	s6 =	sadd.s32 @!p0 s3, s7;
	s7 =	simm.s32 @!p0 $0x108  }
0x21: {  	s3 =	sadd.s32 s3, s9;
	s6 =	sadd.s32 @!p0 $0x88, s6;
	s7 =	simm.s32 @p2 $0x1082  }
0x22: {  	[simem:s7], [sflag:s8] =	dma.local @!p0 [hbm:s6], $0xF7A  }
0x23: {  	s9 =	sor.u32 $0xD0000000, s2;
	s6 =	simm.s32 $0x108;
	_ =	swait.ge @!p0 [sflag:s8], $0x0  }
0x24: {  	s3 =	sadd.s32 $0x88, s3;
	s6 =	simm.s32 @!p1 $0x1082;
	[sflag:s4] =	ssyncset.s32 $0xFFFFF086  }
0x25: {  	[simem:s6], [sflag:s4] =	dma.local [hbm:s3], $0xF7A  }
0x26: {  	[smem:$0x3F95] =	sst s1;
	(tag) =	ssettag s2;
	_ =	strace s9  }
0x27: {  	s1 =	sld [smem:$0x3FA5]  }
0x28: {  	s2 =	sld [smem:$0x3FA6]  }
0x29: {  	s4 =	sld [smem:$0x3FA8]  }
0x2a: {  	p0 =	seq.s32 s5, $0x0;
	s5 =	sld [smem:$0x3FA9]  }
0x2b: {  	s6 =	sld [smem:$0x3FAA]  }
0x2c: {  	s7 =	sld [smem:$0x3FAB]  }
0x2d: {  	s3 =	simm.s32 $0x108;
	s8 =	sld [smem:$0x3FAC]  }
0x2e: {  	s3 =	simm.s32 @!p0 $0x1082;
	s9 =	sld [smem:$0x3FAD]  }
0x2f: {  	lr =	sadd.s32 s0, s3;
	s0 =	sld [smem:$0x3FA4]  }
0x30: {  	s3 =	sld [smem:$0x3FA7]  }
0x31: {  	[smem:$0x3FB0] =	sst s10  }
0x32: {  	s10 =	sld [smem:$0x3FAE];
	_ =	sdelay $0x3  }
0x33: {  	p0 =	seq.s32 s10, $0x1;
	s10 =	sld [smem:$0x3FB0];
	_ =	sdelay $0x3  }
0x34: {  	[smem:$0x3FB0] =	sst s10  }
0x35: {  	s10 =	sld [smem:$0x3FAF];
	_ =	sdelay $0x3  }
0x36: {  	p1 =	seq.s32 s10, $0x1;
	s10 =	sld [smem:$0x3FB0];
	_ =	sdelay $0x3  }
0x37: {  	[smem:$0x3FB0] =	sst s10  }
0x38: {  	s10 =	sld [smem:$0x3FB1]  }
0x39: {  	_ = 	snop;
	(pc) =	sbr.ind lr, $3  }
0x3a: {  	_ = 	snop  }
0x3b: {  	_ = 	snop  }
0x3c: {  	p2 =	seq.s32 s10, $0x1;
	s10 =	sld [smem:$0x3FB0]  }
0x3d: {  	_ =	shalt  }
0x3e: {  	_ =	shalt  }
0x3f: {  	_ =	shalt  }
0x40: {  	_ =	shalt  }
0x41: {  	_ =	shalt  }
0x42: {  	_ =	shalt  }
0x43: {  	_ =	shalt  }
0x44: {  	_ =	shalt  }
0x45: {  	_ =	shalt  }
0x46: {  	_ =	shalt  }
0x47: {  	_ =	shalt  }
0x48: {  	_ =	shalt  }
0x49: {  	_ =	shalt  }
0x4a: {  	_ =	shalt  }
0x4b: {  	_ =	shalt  }
0x4c: {  	_ =	shalt  }
0x4d: {  	_ =	shalt  }
0x4e: {  	_ =	shalt  }
0x4f: {  	_ =	shalt  }
0x50: {  	_ =	shalt  }
0x51: {  	_ =	shalt  }
0x52: {  	_ =	shalt  }
0x53: {  	_ =	shalt  }
0x54: {  	_ =	shalt  }
0x55: {  	_ =	shalt  }
0x56: {  	_ =	shalt  }
0x57: {  	_ =	shalt  }
0x58: {  	_ =	shalt  }
0x59: {  	_ =	shalt  }
0x5a: {  	_ =	shalt  }
0x5b: {  	_ =	shalt  }
0x5c: {  	_ =	shalt  }
0x5d: {  	_ =	shalt  }
0x5e: {  	_ =	shalt  }
0x5f: {  	_ =	shalt  }
0x60: {  	_ =	shalt  }
0x61: {  	_ =	shalt  }
0x62: {  	_ =	shalt  }
0x63: {  	_ =	shalt  }
0x64: {  	_ =	shalt  }
0x65: {  	_ =	shalt  }
0x66: {  	_ =	shalt  }
0x67: {  	_ =	shalt  }
0x68: {  	_ =	shalt  }
0x69: {  	_ =	shalt  }
0x6a: {  	_ =	shalt  }
0x6b: {  	_ =	shalt  }
0x6c: {  	_ =	shalt  }
0x6d: {  	_ =	shalt  }
0x6e: {  	_ =	shalt  }
0x6f: {  	_ =	shalt  }
0x70: {  	_ =	shalt  }
0x71: {  	_ =	shalt  }
0x72: {  	_ =	shalt  }
0x73: {  	_ =	shalt  }
0x74: {  	_ =	shalt  }
0x75: {  	_ =	shalt  }
0x76: {  	_ =	shalt  }
0x77: {  	_ =	shalt  }
0x78: {  	_ =	shalt  }
0x79: {  	_ =	shalt  }
0x7a: {  	_ =	shalt  }
0x7b: {  	_ =	shalt  }
0x7c: {  	_ =	shalt  }
0x7d: {  	_ =	shalt  }
0x7e: {  	_ =	shalt  }
0x7f: {  	_ =	shalt  }
0x80: {  	_ =	shalt  }
0x81: {  	_ =	shalt  }
0x82: {  	_ =	shalt  }
0x83: {  	_ =	shalt  }
0x84: {  	_ =	shalt  }
0x85: {  	_ =	shalt  }
0x86: {  	_ =	shalt  }
0x87: {  	_ =	shalt  }
.Lfunc_end0:
.L_simem_size_0:
called_computation_lowered:
.L_overlay_start_0:
0x88: {  	s2 =	sld [smem:$0x3FD9]  }
0x89: {  	s3 =	sld [smem:$0x3FFE];
	_ =	sdelay $0x1  }
0x8a: {  	s1 =	srdreg.scid  }
0x8b: {  	s0 =	sand.u32 $0x1, s1  }
0x8c: {  	s17 =	sshll.u32 s0, $0xA;
	s2 =	sadd.s32 s3, s2  }
0x8d: {  	s2 =	sadd.s32 s2, s17  }
0x8e: {  	[smem:$0x3FBC] =	sst s2  }
0x8f: {  	_ = 	snop  }
0x90: {  	s2 =	sld [smem:$0x3FD0];
	(tm) =	ssettm $0x1  }
0x91: {  	s18 =	sld [smem:$0x3FFB];
	_ =	sdelay $0x3  }
0x92: {  	_ =	strace s18  }
0x93: {  	s3 =	sld [smem:$0x3FFC];
	_ =	sdelay $0x3  }
0x94: {  	_ =	strace s3  }
0x95: {  	s3 =	sld [smem:$0x3FFD];
	_ =	sdelay $0x3  }
0x96: {  	_ =	strace s3  }
0x97: {  	_ =	strace $0x8FFFFFFF  }
0x98: {  	s19 =	sld [smem:$0x3FDB];
	_ =	sdelay $0x1  }
0x99: {  	s4 =	simm.s32 $_scs_section_size  }
0x9a: {  	s5 =	simm.s32 $_size__tile_overlayer_lowered;
	s6 =	simm.s32 $_tile_overlayer_lowered  }
0x9b: {  	s22 =	simm.s32 $0x1BFF;
	s21 =	sshll.u32 s6, $0x1;
	s3 =	sadd.s32 s4, s19  }
0x9c: {  	s7 =	simm.s32 $0x0;
	s20 =	sshll.u32 s5, $0x1;
	s5 =	sadd.s32 s21, s3  }
0x9d: {  	[timem:s7], [sflag:s22] =	dma.local [hbm:s5], s20  }
0x9e: {  	_ =	swait.ge [sflag:s22], s20  }
0x9f: {  	s4 =	ssub.s32 $0x0, s20;
	[sflag:s22] =	ssyncset.done $0x0  }
0xa0: {  	[sflag:s22] =	ssyncadd.s32 s4;
	_ =	sdelay $0x1  }
0xa1: {  	s23 =	simm.s32 $0x1B8B  }
0xa2: {  	_ =	swait.ge [sflag:s23], $0x1  }
0xa3: {  	[sflag:s23] =	ssyncset.done $0x0  }
0xa4: {  	s25 =	simm.s32 $0x1B8E;
	s24 =	sld [smem:$0x3FFE];
	[sflag:s23] =	ssyncadd.s32 $0xFFFFFFFF  }
0xa5: {  	s26 =	simm.s32 $execute0_lowered;
	[smem:$0x3FD2] =	sst s25  }
0xa6: {  	s5 =	sshll.u32 s26, $0x1;
	_ =	strace $0x80000046;
	[dreg:$0x1] =	wrdreg $0xFFFFFFFF  }
0xa7: {  	s28 =	simm.s32 $_size_execute0_lowered;
	s3 =	sadd.s32 s3, s5;
	[dreg:$0x0] =	wrdreg $0x0  }
0xa8: {  	s5 =	sshll.u32 s28, $0x1;
	[dreg:$0x2] =	wrdreg s3  }
0xa9: {  	[dreg:$0x3] =	wrdreg s5  }
0xaa: {  	[dreg:$0x4] =	wrdreg $0xC0  }
0xab: {  	_ =	task [dreg:s7], $0x5FFFF  }
0xac: {  	[dreg:$0x1] =	wrdreg $0xFFFFFFFF  }
0xad: {  	[dreg:$0x0] =	wrdreg $0x60  }
0xae: {  	[dreg:$0x2] =	wrdreg s2  }
0xaf: {  	[dreg:$0x3] =	wrdreg s24  }
0xb0: {  	[dreg:$0x4] =	wrdreg $0x9  }
0xb1: {  	_ =	task.clear_ibuf [dreg:s7], $0x5FFFF;
	_ =	strace $0x90000046  }
0xb2: {  	s29 =	simm.s32 $0x9;
	_ =	strace $0x80000048  }
0xb3: {  	_ =	swait.ge [sflag:s29], $0x1  }
0xb4: {  	[sflag:s29] =	ssyncadd.s32 $0xFFFFFFFF  }
0xb5: {  	_ =	strace $0x90000048  }
0xb6: {  	_ =	sfence  }
0xb7: {  	s30 =	sld [smem:$0x0];
	_ =	sdelay $0x2  }
0xb8: {  	s31 =	sshll.u32 s1, $0xD;
	s1 =	sshrl.u32 s1, $0x2  }
0xb9: {  	s3 =	sand.u32 $0x4000, s31;
	s1 =	sadd.s32 s1, s30  }
0xba: {  	s0 =	sor.u32 s3, s0;
	s1 =	sshll.u32 s1, $0x11  }
0xbb: {  	s0 =	sor.u32 s1, s0  }
0xbc: {  	s0 =	sadd.s32 $0x8F2B, s0  }
0xbd: {  	[sflag:s0] =	ssyncadd.remote.s32 $0x1  }
0xbe: {  	_ =	sfence.sel $0xFFFF  }
0xbf: {  	[dreg:$0x0] =	wrdreg $0xFFFFFFFF;
	(pc) =	sbr.abs _section_cstart, $3  }
0xc0: {  	[dreg:$0x1] =	wrdreg $0xFFFFFFFF  }
0xc1: {  	_ =	task.clear_ibuf [dreg:s7], $0x2FFFF;
	_ =	strace $0x9FFFFFFF  }
0xc2: {  	(tm) =	ssettm $0x7FFFFFFF  }
0xc3: {  	_ =	shalt  }
tec
execute0_lowered:
.L_overlay_start_1:
0x0: {  	(tag) =	ssettag $0x1  }
0x1: {  	s1 =	srdreg.scid;
	s0 =	stileid.u32  }
0x2: {  	s2 =	rddreg [dreg:$0x0];
	s1 =	sand.u32 $0x1, s1;
	s3 =	sshll.u32 s0, $0x1  }
0x3: {  	s5 =	rddreg [dreg:$0x1];
	s4 =	sor.u32 s1, s3;
	s3 =	simm.s32 $0x0  }
0x4: {  	s15 =	simm.s32 $0x68;
	[smem:$0x7FF] =	sst s3  }
0x5: {  	s16 =	simm.s32 $0x1F80;
	_ =	strace $0x80000047;
	[dreg:$0x5] =	wrdreg s15  }
0x6: {  	s17 =	simm.s32 $0xD0;
	[dreg:$0x6] =	wrdreg s16  }
0x7: {  	s18 =	simm.s32 $0x3880;
	[dreg:$0x7] =	wrdreg s17  }
0x8: {  	s19 =	simm.s32 $0x138;
	s6 =	smul.u32 $0xD0, s4;
	[dreg:$0x8] =	wrdreg s18  }
0x9: {  	s20 =	simm.s32 $0x5180;
	s4 =	smul.u32 $0x3200, s4;
	[dreg:$0x9] =	wrdreg s19  }
0xa: {  	s21 =	simm.s32 $0x1A0;
	[dreg:$0xa] =	wrdreg s20;
	s6 =	sadd.s32 s6, s5  }
0xb: {  	[dreg:$0xb] =	wrdreg s21;
	s4 =	sadd.s32 s4, s5;
	s14 =	sadd.s32 $0x1C00, s6  }
0xc: {  	s4 =	sadd.s32 $0x3600, s4;
	[dreg:$0x3] =	wrdreg s14  }
0xd: {  	[dreg:$0x4] =	wrdreg s4  }
0xe: {  	s4 =	simm.s32 $0x2;
	s5 =	rddreg [dreg:$0x3]  }
0xf: {  	[tilespmem:s3], [sflag:$0x2] =	stream.linear.gather [hbm4b:s5+s3], $0x680, $0x38;
	[tilespmem:$0x19680] =	vst v63  }
0x10: {  	_ =	swait.ge [sflag:s4], $0x680  }
0x11: {  	s7 =	rddreg [dreg:$0x9]  }
0x12: {  	s6 =	simm.s32 $0x680;
	s8 =	rddreg [dreg:$0x7];
	[sflag:s4] =	ssyncset.done $0x0  }
0x13: {  	s5 =	simm.s32 $0x64;
	s9 =	rddreg [dreg:$0x5];
	[sflag:s4] =	ssyncadd.s32 $0xFFFFF980  }
0x14: {  	[tilespmem:s6], [sflag:$0x1] =	stream.indirect.gather [hbm4b:s2+s5], $0x40, s3, s5, $0xb8;
	[tilespmem:$0x19680] =	vst v63  }
0x15: {  	s10 =	rddreg [dreg:$0x6]  }
0x16: {  	[tilespmem:s10], [sflag:$0x1] =	stream.indirect.gather [hbm4b:s2+s5], $0x40, s9, s5, $0xb8;
	[tilespmem:$0x19680] =	vst v63  }
0x17: {  	s11 =	rddreg [dreg:$0x8]  }
0x18: {  	[tilespmem:s11], [sflag:$0x1] =	stream.indirect.gather [hbm4b:s2+s5], $0x40, s8, s5, $0xb8;
	[tilespmem:$0x19680] =	vst v63  }
0x19: {  	s22 =	rddreg [dreg:$0xa]  }
0x1a: {  	[tilespmem:s22], [sflag:$0x1] =	stream.indirect.gather [hbm4b:s2+s5], $0x40, s7, s5, $0xb8;
	[tilespmem:$0x19680] =	vst v63  }
0x1b: {  	s24 =	simm.s32 $0x6A80;
	s23 =	rddreg [dreg:$0xb]  }
0x1c: {  	[tilespmem:s24], [sflag:$0x1] =	stream.indirect.gather [hbm4b:s2+s5], $0x40, s23, s5, $0xb8;
	[tilespmem:$0x19680] =	vst v63  }
0x1d: {  	s25 =	simm.s32 $0x208;
	s26 =	simm.s32 $0x8380  }
0x1e: {  	[tilespmem:s26], [sflag:$0x1] =	stream.indirect.gather [hbm4b:s2+s5], $0x40, s25, s5, $0xb8;
	[tilespmem:$0x19680] =	vst v63  }
0x1f: {  	s8 =	simm.s32 $0x9C80;
	s7 =	simm.s32 $0x270  }
0x20: {  	[tilespmem:s8], [sflag:$0x1] =	stream.indirect.gather [hbm4b:s2+s5], $0x40, s7, s5, $0xb8;
	[tilespmem:$0x19680] =	vst v63  }
0x21: {  	s12 =	simm.s32 $0x2D8;
	s13 =	simm.s32 $0xB580  }
0x22: {  	[tilespmem:s13], [sflag:$0x1] =	stream.indirect.gather [hbm4b:s2+s5], $0x40, s12, s5, $0xb8;
	[tilespmem:$0x19680] =	vst v63  }
0x23: {  	s15 =	simm.s32 $0xCE80;
	s14 =	simm.s32 $0x340  }
0x24: {  	[tilespmem:s15], [sflag:$0x1] =	stream.indirect.gather [hbm4b:s2+s5], $0x40, s14, s5, $0xb8;
	[tilespmem:$0x19680] =	vst v63  }
0x25: {  	s16 =	simm.s32 $0x3A8;
	s17 =	simm.s32 $0xE780  }
0x26: {  	[tilespmem:s17], [sflag:$0x1] =	stream.indirect.gather [hbm4b:s2+s5], $0x40, s16, s5, $0xb8;
	[tilespmem:$0x19680] =	vst v63  }
0x27: {  	s18 =	simm.s32 $0x410;
	s19 =	simm.s32 $0x10080  }
0x28: {  	[tilespmem:s19], [sflag:$0x1] =	stream.indirect.gather [hbm4b:s2+s5], $0x40, s18, s5, $0xb8;
	[tilespmem:$0x19680] =	vst v63  }
0x29: {  	s20 =	simm.s32 $0x478;
	s21 =	simm.s32 $0x11980  }
0x2a: {  	[tilespmem:s21], [sflag:$0x1] =	stream.indirect.gather [hbm4b:s2+s5], $0x40, s20, s5, $0xb8;
	[tilespmem:$0x19680] =	vst v63  }
0x2b: {  	s22 =	simm.s32 $0x4E0;
	s23 =	simm.s32 $0x13280  }
0x2c: {  	[tilespmem:s23], [sflag:$0x1] =	stream.indirect.gather [hbm4b:s2+s5], $0x40, s22, s5, $0xb8;
	[tilespmem:$0x19680] =	vst v63  }
0x2d: {  	s24 =	simm.s32 $0x548;
	s25 =	simm.s32 $0x14B80  }
0x2e: {  	[tilespmem:s25], [sflag:$0x1] =	stream.indirect.gather [hbm4b:s2+s5], $0x40, s24, s5, $0xb8;
	[tilespmem:$0x19680] =	vst v63  }
0x2f: {  	s28 =	simm.s32 $0x16480;
	s26 =	simm.s32 $0x5B0  }
0x30: {  	[tilespmem:s28], [sflag:$0x1] =	stream.indirect.gather [hbm4b:s2+s5], $0x40, s26, s5, $0xb8;
	[tilespmem:$0x19680] =	vst v63  }
0x31: {  	s29 =	simm.s32 $0x618;
	s30 =	simm.s32 $0x17D80;
	s31 =	simm.s32 $0x1  }
0x32: {  	[tilespmem:s30], [sflag:$0x1] =	stream.indirect.gather [hbm4b:s2+s5], $0x40, s29, s5, $0xb8;
	[tilespmem:$0x19680] =	vst v63  }
0x33: {  	_ =	swait.ge [sflag:s31], $0x1900  }
0x34: {  	[sflag:s31] =	ssyncset.done $0x0  }
0x35: {  	[sflag:s31] =	ssyncadd.s32 $0xFFFFE700  }
0x36: {  	_ =	swait.ge [sflag:s31], $0x1900  }
0x37: {  	[sflag:s31] =	ssyncset.done $0x0  }
0x38: {  	[sflag:s31] =	ssyncadd.s32 $0xFFFFE700  }
0x39: {  	_ =	swait.ge [sflag:s31], $0x1900  }
0x3a: {  	[sflag:s31] =	ssyncset.done $0x0  }
0x3b: {  	[sflag:s31] =	ssyncadd.s32 $0xFFFFE700  }
0x3c: {  	_ =	swait.ge [sflag:s31], $0x1900  }
0x3d: {  	[sflag:s31] =	ssyncset.done $0x0  }
0x3e: {  	[sflag:s31] =	ssyncadd.s32 $0xFFFFE700  }
0x3f: {  	_ =	swait.ge [sflag:s31], $0x1900  }
0x40: {  	[sflag:s31] =	ssyncset.done $0x0  }
0x41: {  	[sflag:s31] =	ssyncadd.s32 $0xFFFFE700  }
0x42: {  	_ =	swait.ge [sflag:s31], $0x1900  }
0x43: {  	[sflag:s31] =	ssyncset.done $0x0  }
0x44: {  	[sflag:s31] =	ssyncadd.s32 $0xFFFFE700  }
0x45: {  	_ =	swait.ge [sflag:s31], $0x1900  }
0x46: {  	[sflag:s31] =	ssyncset.done $0x0  }
0x47: {  	[sflag:s31] =	ssyncadd.s32 $0xFFFFE700  }
0x48: {  	_ =	swait.ge [sflag:s31], $0x1900  }
0x49: {  	[sflag:s31] =	ssyncset.done $0x0  }
0x4a: {  	[sflag:s31] =	ssyncadd.s32 $0xFFFFE700  }
0x4b: {  	_ =	swait.ge [sflag:s31], $0x1900  }
0x4c: {  	[sflag:s31] =	ssyncset.done $0x0  }
0x4d: {  	[sflag:s31] =	ssyncadd.s32 $0xFFFFE700  }
0x4e: {  	_ =	swait.ge [sflag:s31], $0x1900  }
0x4f: {  	[sflag:s31] =	ssyncset.done $0x0  }
0x50: {  	[sflag:s31] =	ssyncadd.s32 $0xFFFFE700  }
0x51: {  	_ =	swait.ge [sflag:s31], $0x1900  }
0x52: {  	[sflag:s31] =	ssyncset.done $0x0  }
0x53: {  	[sflag:s31] =	ssyncadd.s32 $0xFFFFE700  }
0x54: {  	_ =	swait.ge [sflag:s31], $0x1900  }
0x55: {  	[sflag:s31] =	ssyncset.done $0x0  }
0x56: {  	[sflag:s31] =	ssyncadd.s32 $0xFFFFE700  }
0x57: {  	_ =	swait.ge [sflag:s31], $0x1900  }
0x58: {  	[sflag:s31] =	ssyncset.done $0x0  }
0x59: {  	[sflag:s31] =	ssyncadd.s32 $0xFFFFE700  }
0x5a: {  	s1 =	ssub.s32 $0x2, s1;
	_ =	swait.ge [sflag:s31], $0x1900  }
0x5b: {  	s10 =	sshrl.u32 s1, $0x1;
	[sflag:s31] =	ssyncset.done $0x0  }
0x5c: {  	s0 =	ssub.s32 s1, s10;
	[sflag:s31] =	ssyncadd.s32 $0xFFFFE700  }
0x5d: {  	s0 =	smax.u32 s0, $0x1;
	_ =	swait.ge [sflag:s31], $0x1900  }
0x5e: {  	p0 =	sne.s32 s0, $0x1;
	[sflag:s31] =	ssyncset.done $0x0  }
.Ltmp0:
0x5f: {  	[sflag:s31] =	ssyncadd.s32 $0xFFFFE700;
	(pc) =	sbr.rel @!p0 .LBB2_2-.Ltmp0, $4  }
0x60: {  	_ =	swait.ge [sflag:s31], $0x1900  }
0x61: {  	s11 =	simm.s32 $0x9C80;
	[sflag:s31] =	ssyncset.done $0x0  }
0x62: {  	s1 =	sadd.s32 $0xFFFFFFFF, s0;
	s9 =	rddreg [dreg:$0x4];
	[sflag:s31] =	ssyncadd.s32 $0xFFFFE700  }
0x63: {  	[hbm4b:s9+s3] =	stream.linear.scatter [tilespmem:s6], [sflag:$0x2], $0x19000, $0x38;
	[tilespmem:$0x19680] =	vst v63  }
.LBB2_1:
0x64: {  	_ =	swait.ge [sflag:s4], $0x19000  }
0x65: {  	[sflag:s4] =	ssyncset.done $0x0  }
0x66: {  	s0 =	rddreg [dreg:$0x3];
	[sflag:s4] =	ssyncadd.s32 $0xFFFE7000  }
0x67: {  	[tilespmem:s3], [sflag:$0x2] =	stream.linear.gather [hbm4b:s0+s3], $0x680, $0x38;
	[tilespmem:$0x19680] =	vst v63  }
0x68: {  	_ =	swait.ge [sflag:s4], $0x680  }
0x69: {  	s0 =	rddreg [dreg:$0x9]  }
0x6a: {  	[sflag:s4] =	ssyncset.done $0x0;
	s7 =	rddreg [dreg:$0x7]  }
0x6b: {  	s8 =	rddreg [dreg:$0x5];
	[sflag:s4] =	ssyncadd.s32 $0xFFFFF980  }
0x6c: {  	[tilespmem:s6], [sflag:$0x1] =	stream.indirect.gather [hbm4b:s2+s5], $0x40, s3, s5, $0xb8;
	[tilespmem:$0x19680] =	vst v63  }
0x6d: {  	s9 =	rddreg [dreg:$0x6]  }
0x6e: {  	[tilespmem:s9], [sflag:$0x1] =	stream.indirect.gather [hbm4b:s2+s5], $0x40, s8, s5, $0xb8;
	[tilespmem:$0x19680] =	vst v63  }
0x6f: {  	s10 =	rddreg [dreg:$0x8]  }
0x70: {  	[tilespmem:s10], [sflag:$0x1] =	stream.indirect.gather [hbm4b:s2+s5], $0x40, s7, s5, $0xb8;
	[tilespmem:$0x19680] =	vst v63  }
0x71: {  	s8 =	rddreg [dreg:$0xa]  }
0x72: {  	[tilespmem:s8], [sflag:$0x1] =	stream.indirect.gather [hbm4b:s2+s5], $0x40, s0, s5, $0xb8;
	[tilespmem:$0x19680] =	vst v63  }
0x73: {  	s9 =	rddreg [dreg:$0xb];
	s10 =	simm.s32 $0x6A80  }
0x74: {  	[tilespmem:s10], [sflag:$0x1] =	stream.indirect.gather [hbm4b:s2+s5], $0x40, s9, s5, $0xb8;
	[tilespmem:$0x19680] =	vst v63  }
0x75: {  	s7 =	simm.s32 $0x208;
	s8 =	simm.s32 $0x8380  }
0x76: {  	[tilespmem:s8], [sflag:$0x1] =	stream.indirect.gather [hbm4b:s2+s5], $0x40, s7, s5, $0xb8;
	[tilespmem:$0x19680] =	vst v63  }
0x77: {  	s9 =	simm.s32 $0x270  }
0x78: {  	[tilespmem:s11], [sflag:$0x1] =	stream.indirect.gather [hbm4b:s2+s5], $0x40, s9, s5, $0xb8;
	[tilespmem:$0x19680] =	vst v63  }
0x79: {  	_ = 	snop  }
0x7a: {  	[tilespmem:s13], [sflag:$0x1] =	stream.indirect.gather [hbm4b:s2+s5], $0x40, s12, s5, $0xb8;
	[tilespmem:$0x19680] =	vst v63  }
0x7b: {  	_ = 	snop  }
0x7c: {  	[tilespmem:s15], [sflag:$0x1] =	stream.indirect.gather [hbm4b:s2+s5], $0x40, s14, s5, $0xb8;
	[tilespmem:$0x19680] =	vst v63  }
0x7d: {  	_ = 	snop  }
0x7e: {  	[tilespmem:s17], [sflag:$0x1] =	stream.indirect.gather [hbm4b:s2+s5], $0x40, s16, s5, $0xb8;
	[tilespmem:$0x19680] =	vst v63  }
0x7f: {  	_ = 	snop  }
0x80: {  	[tilespmem:s19], [sflag:$0x1] =	stream.indirect.gather [hbm4b:s2+s5], $0x40, s18, s5, $0xb8;
	[tilespmem:$0x19680] =	vst v63  }
0x81: {  	_ = 	snop  }
0x82: {  	[tilespmem:s21], [sflag:$0x1] =	stream.indirect.gather [hbm4b:s2+s5], $0x40, s20, s5, $0xb8;
	[tilespmem:$0x19680] =	vst v63  }
0x83: {  	_ = 	snop  }
0x84: {  	[tilespmem:s23], [sflag:$0x1] =	stream.indirect.gather [hbm4b:s2+s5], $0x40, s22, s5, $0xb8;
	[tilespmem:$0x19680] =	vst v63  }
0x85: {  	_ = 	snop  }
0x86: {  	[tilespmem:s25], [sflag:$0x1] =	stream.indirect.gather [hbm4b:s2+s5], $0x40, s24, s5, $0xb8;
	[tilespmem:$0x19680] =	vst v63  }
0x87: {  	_ = 	snop  }
0x88: {  	[tilespmem:s28], [sflag:$0x1] =	stream.indirect.gather [hbm4b:s2+s5], $0x40, s26, s5, $0xb8;
	[tilespmem:$0x19680] =	vst v63  }
0x89: {  	_ = 	snop  }
0x8a: {  	[tilespmem:s30], [sflag:$0x1] =	stream.indirect.gather [hbm4b:s2+s5], $0x40, s29, s5, $0xb8;
	[tilespmem:$0x19680] =	vst v63  }
0x8b: {  	_ =	swait.ge [sflag:s31], $0x1900  }
0x8c: {  	[sflag:s31] =	ssyncset.done $0x0  }
0x8d: {  	[sflag:s31] =	ssyncadd.s32 $0xFFFFE700  }
0x8e: {  	_ =	swait.ge [sflag:s31], $0x1900  }
0x8f: {  	[sflag:s31] =	ssyncset.done $0x0  }
0x90: {  	[sflag:s31] =	ssyncadd.s32 $0xFFFFE700  }
0x91: {  	_ =	swait.ge [sflag:s31], $0x1900  }
0x92: {  	[sflag:s31] =	ssyncset.done $0x0  }
0x93: {  	[sflag:s31] =	ssyncadd.s32 $0xFFFFE700  }
0x94: {  	_ =	swait.ge [sflag:s31], $0x1900  }
0x95: {  	[sflag:s31] =	ssyncset.done $0x0  }
0x96: {  	[sflag:s31] =	ssyncadd.s32 $0xFFFFE700  }
0x97: {  	_ =	swait.ge [sflag:s31], $0x1900  }
0x98: {  	[sflag:s31] =	ssyncset.done $0x0  }
0x99: {  	[sflag:s31] =	ssyncadd.s32 $0xFFFFE700  }
0x9a: {  	_ =	swait.ge [sflag:s31], $0x1900  }
0x9b: {  	[sflag:s31] =	ssyncset.done $0x0  }
0x9c: {  	[sflag:s31] =	ssyncadd.s32 $0xFFFFE700  }
0x9d: {  	_ =	swait.ge [sflag:s31], $0x1900  }
0x9e: {  	[sflag:s31] =	ssyncset.done $0x0  }
0x9f: {  	[sflag:s31] =	ssyncadd.s32 $0xFFFFE700  }
0xa0: {  	_ =	swait.ge [sflag:s31], $0x1900  }
0xa1: {  	[sflag:s31] =	ssyncset.done $0x0  }
0xa2: {  	[sflag:s31] =	ssyncadd.s32 $0xFFFFE700  }
0xa3: {  	_ =	swait.ge [sflag:s31], $0x1900  }
0xa4: {  	[sflag:s31] =	ssyncset.done $0x0  }
0xa5: {  	[sflag:s31] =	ssyncadd.s32 $0xFFFFE700  }
0xa6: {  	_ =	swait.ge [sflag:s31], $0x1900  }
0xa7: {  	[sflag:s31] =	ssyncset.done $0x0  }
0xa8: {  	[sflag:s31] =	ssyncadd.s32 $0xFFFFE700  }
0xa9: {  	_ =	swait.ge [sflag:s31], $0x1900  }
0xaa: {  	[sflag:s31] =	ssyncset.done $0x0  }
0xab: {  	[sflag:s31] =	ssyncadd.s32 $0xFFFFE700  }
0xac: {  	_ =	swait.ge [sflag:s31], $0x1900  }
0xad: {  	[sflag:s31] =	ssyncset.done $0x0  }
0xae: {  	[sflag:s31] =	ssyncadd.s32 $0xFFFFE700  }
0xaf: {  	_ =	swait.ge [sflag:s31], $0x1900  }
0xb0: {  	[sflag:s31] =	ssyncset.done $0x0  }
0xb1: {  	[sflag:s31] =	ssyncadd.s32 $0xFFFFE700  }
0xb2: {  	_ =	swait.ge [sflag:s31], $0x1900  }
0xb3: {  	[sflag:s31] =	ssyncset.done $0x0  }
0xb4: {  	[sflag:s31] =	ssyncadd.s32 $0xFFFFE700  }
0xb5: {  	_ =	swait.ge [sflag:s31], $0x1900  }
0xb6: {  	p0 =	sne.s32 s1, $0x1;
	[sflag:s31] =	ssyncset.done $0x0  }
.Ltmp1:
0xb7: {  	[sflag:s31] =	ssyncadd.s32 $0xFFFFE700;
	(pc) =	sbr.rel @p0 .LBB2_1-.Ltmp1, $4  }
0xb8: {  	_ =	swait.ge [sflag:s31], $0x1900  }
0xb9: {  	[sflag:s31] =	ssyncset.done $0x0  }
0xba: {  	s1 =	sadd.s32 $0xFFFFFFFF, s1;
	s10 =	rddreg [dreg:$0x4];
	[sflag:s31] =	ssyncadd.s32 $0xFFFFE700  }
0xbb: {  	[hbm4b:s10+s3] =	stream.linear.scatter [tilespmem:s6], [sflag:$0x2], $0x19000, $0x38;
	[tilespmem:$0x19680] =	vst v63  }
.LBB2_2:
0xbc: {  	_ =	swait.ge [sflag:s4], $0x19000  }
0xbd: {  	[sflag:s4] =	ssyncset.done $0x0  }
0xbe: {  	[sflag:s4] =	ssyncadd.s32 $0xFFFE7000  }
0xbf: {  	_ =	sfence.sel $0x180000  }
0xc0: {  	[bflag:$0x0] =	sbarrier.arrive $0xFFFF  }
0xc1: {  	_ =	strace $0x90000047  }
0xc2: {  	s0 =	stileid.u32;
	[bflag:$0x2] =	sbarrier.arrive $0xFFFF  }
0xc3: {  	p0 =	sne.s32 s0, $0x0;
	s0 =	rddreg [dreg:$0x2]  }
0xc4: {  	s0 =	sadd.s32 @!p0 $0x100000, s0  }
0xc5: {  	[sflag:s0] =	ssyncadd.tile.s32 @!p0 $0x1;
	_ =	shalt  }
.Lfunc_end2:
_tile_overlayer_lowered:
.L_overlay_start_2:
0xc6: {  	(tag) =	ssettag $0x2  }
0xc7: {  	s0 =	rddreg [dreg:$0x0];
	s2 =	stileid.u32  }
0xc8: {  	s1 =	rddreg [dreg:$0x1];
	p0 =	sne.s32 s2, $0x0  }
0xc9: {  	s3 =	rddreg [dreg:$0x2];
	[bflag:$0x3] =	sbarrier.arrive $0xFFFF;
	s2 =	simm.s32 @!p0 $0x1C02  }
0xca: {  	[timem:s3], [sflag:s2] =	dma.local @!p0 [hbm:s0], s1  }
0xcb: {  	s0 =	simm.s32 @!p0 $0x2  }
0xcc: {  	_ =	swait.ge @!p0 [sflag:s0], s1  }
0xcd: {  	s1 =	ssub.s32 @!p0 $0x0, s1;
	[sflag:s0] =	ssyncset.done @!p0 $0x0  }
0xce: {  	[sflag:s0] =	ssyncadd.s32 @!p0 s1  }
0xcf: {  	[bflag:$0x3] =	sbarrier.arrive $0xFFFF  }
0xd0: {  	_ =	shalt  }

</sc_bundles>
